<compile_context>
chip_gen: v7x
topology: tpu7x:2x2x1
jax: 0.10.2.dev20260603
libtpu: 0.0.44.dev20260713+nightly
codegen_flags: <defaults>
</compile_context>

<pallas_src>
import functools

import jax
import jax.numpy as jnp
from jax.experimental import pallas as pl
from jax.experimental.pallas import tpu as pltpu
from jax.experimental.pallas import tpu_sc as plsc

_CUTOFF = 5.0
_LOG2 = 0.6931471805599453


def _ssp(v):
    return jnp.maximum(v, 0.0) + jnp.log1p(jnp.exp(-jnp.abs(v))) - _LOG2


def _in2f_body(x_ref, w_ref, o_ref):
    o_ref[...] = jnp.dot(x_ref[...].astype(jnp.bfloat16),
                         w_ref[...].astype(jnp.bfloat16),
                         preferred_element_type=jnp.float32)


def _in2f(x_flat, w):
    n, f = x_flat.shape[0], w.shape[1]
    return pl.pallas_call(
        _in2f_body,
        out_shape=jax.ShapeDtypeStruct((n, f), jnp.float32),
    )(x_flat, w)


def _sc_gather_async(table, idx, win=128):
    num_idx = idx.shape[1]
    fdim = table.shape[1]
    nsteps = num_idx // (win * 32)
    mesh = plsc.VectorSubcoreMesh(core_axis_name="c", subcore_axis_name="s")

    @functools.partial(
        pl.kernel,
        out_type=jax.ShapeDtypeStruct((num_idx, fdim), table.dtype),
        mesh=mesh,
        scratch_types=[
            pltpu.VMEM((4, 1, win), jnp.int32),
            pltpu.VMEM((3, win, table.shape[1]), table.dtype),
            pltpu.SemaphoreType.DMA((4,)),
            pltpu.SemaphoreType.DMA((4,)),
            pltpu.SemaphoreType.DMA((3,)),
        ],
    )
    def run(tab_hbm, i_hbm, o_hbm, idx_buf, g_buf, sem_i, sem_g, sem_o):
        worker = jax.lax.axis_index("c") * 16 + jax.lax.axis_index("s")
        base = worker * nsteps

        def idx_dma(t, start):
            cp = pltpu.make_async_copy(
                i_hbm.at[:, pl.ds((base + t) * win, win)],
                idx_buf.at[t % 4],
                sem_i.at[t % 4])
            cp.start() if start else cp.wait()

        def gather(t, start):
            cp = pltpu.make_async_copy(
                tab_hbm.at[idx_buf.at[t % 4, 0]],
                g_buf.at[t % 3],
                sem_g.at[t % 4])
            cp.start() if start else cp.wait()

        def out(t, start):
            cp = pltpu.make_async_copy(
                g_buf.at[t % 3],
                o_hbm.at[pl.ds((base + t) * win, win), :],
                sem_o.at[t % 3])
            cp.start() if start else cp.wait()

        idx_dma(0, True)
        idx_dma(1, True)
        idx_dma(2, True)
        idx_dma(3, True)

        @pl.loop(0, nsteps)
        def _(t):
            @pl.when(t >= 2)
            def _():
                gather(t - 2, False)
                out(t - 2, True)

                @pl.when(t + 2 < nsteps)
                def _():
                    idx_dma(t + 2, True)

            @pl.when(t >= 3)
            def _():
                out(t - 3, False)

            idx_dma(t, False)
            gather(t, True)

        gather(nsteps - 2, False)
        out(nsteps - 2, True)
        gather(nsteps - 1, False)
        out(nsteps - 1, True)
        out(nsteps - 3, False)
        out(nsteps - 2, False)
        out(nsteps - 1, False)

    return run(table, idx)


def _fused_body(nn, ba, fij_ref, yg_ref,
                wf1_ref, bf1_ref, wf2_ref, bf2_ref,
                wout_ref, bout_ref, wd_ref, bd_ref, o_ref):
    f = wf1_ref.shape[1]
    s_dim = fij_ref.shape[-1]
    fij = fij_ref[...].reshape(ba * nn, s_dim)
    h = jnp.dot(fij, wf1_ref[...], preferred_element_type=jnp.float32)
    hb = (h + bf1_ref[...]).astype(jnp.bfloat16)
    hb = jnp.maximum(hb, jnp.bfloat16(0.0)) + jnp.log1p(
        jnp.exp(-jnp.abs(hb))) - jnp.bfloat16(_LOG2)
    w = jnp.dot(hb, wf2_ref[...],
                preferred_element_type=jnp.float32) + bf2_ref[...]
    s = w * yg_ref[...]
    v = jnp.sum(s.reshape(ba, nn, f), axis=1).astype(jnp.bfloat16)
    v = _ssp(jnp.dot(v, wout_ref[...], preferred_element_type=jnp.float32)
             + bout_ref[...]).astype(jnp.bfloat16)
    o_ref[...] = jnp.dot(v, wd_ref[...], preferred_element_type=jnp.float32) \
        + bd_ref[...]


def kernel(x, r_ij, neighbors, neighbor_mask, f_ij,
           W_in2f, W_f1, b_f1, W_f2, b_f2,
           W_out, b_out, W_dense, b_dense):
    B, Na, Nn = neighbors.shape
    S = f_ij.shape[-1]
    F = W_in2f.shape[1]

    zrow = B * Na
    x_pad = jnp.pad(x.reshape(B * Na, -1), ((0, 8), (0, 0)))
    y = _in2f(x_pad, W_in2f)

    nidx = B * Na * Nn
    pad_to = -(-nidx // (128 * 32)) * (128 * 32)
    live = (neighbor_mask != 0) & (r_ij <= _CUTOFF)
    flat_idx = jnp.where(
        live,
        neighbors + (jnp.arange(B, dtype=jnp.int32) * Na)[:, None, None],
        zrow).reshape(nidx)
    flat_idx = jnp.pad(flat_idx, (0, pad_to - nidx)).reshape(1, pad_to)
    yg = _sc_gather_async(y, flat_idx)

    BA = 400
    NB = (B * Na) // BA
    E = BA * Nn
    fij4 = f_ij.reshape(B * Na, Nn, S).astype(jnp.bfloat16)

    full = lambda shape: pl.BlockSpec(shape, lambda i: (0, 0))
    out = pl.pallas_call(
        functools.partial(_fused_body, Nn, BA),
        grid=(NB,),
        in_specs=[
            pl.BlockSpec((BA, Nn, S), lambda i: (i, 0, 0)),
            pl.BlockSpec((E, F), lambda i: (i, 0)),
            full((S, F)),
            full((1, F)),
            full((F, F)),
            full((1, F)),
            full((F, F)),
            full((1, F)),
            full((F, F)),
            full((1, F)),
        ],
        out_specs=pl.BlockSpec((BA, F), lambda i: (i, 0)),
        out_shape=jax.ShapeDtypeStruct((B * Na, F), jnp.float32),
        compiler_params=pltpu.CompilerParams(
            dimension_semantics=("parallel",)),
    )(fij4, yg,
      W_f1.astype(jnp.bfloat16), b_f1.reshape(1, F),
      W_f2.astype(jnp.bfloat16), b_f2.reshape(1, F),
      W_out.astype(jnp.bfloat16), b_out.reshape(1, F),
      W_dense.astype(jnp.bfloat16), b_dense.reshape(1, F))
    return out.reshape(B, Na, F)

# --- scband reference (transcript-rebuilt; emitter-appended) ---
"""Pipeline reference for scband-sch-net-interaction-24043226923284 (READ-ONLY COPY).

The authoritative reference and input builder live on the scoring server;
editing this copy changes nothing except your own understanding.
"""

import jax, jax.numpy as jnp
import numpy as np

CUTOFF = 5.0


def shifted_softplus(x):
    return jnp.logaddexp(x, 0.0) - jnp.log(2.0)


def setup_inputs(seed: int = 0) -> dict:
    key = jax.random.key(seed)
    ks = jax.random.split(key, 10)
    B, Na, Nnbh = 4, 2500, 32
    n_atom_basis, n_spatial, n_filters = 128, 50, 128

    x = jax.random.normal(ks[0], (B, Na, n_atom_basis), dtype=jnp.float32)
    r_ij = jax.random.uniform(ks[1], (B, Na, Nnbh), dtype=jnp.float32)
    neighbors = jax.random.randint(ks[2], (B, Na, Nnbh), 0, Na, dtype=jnp.int32)
    neighbor_mask = jnp.ones((B, Na, Nnbh), dtype=jnp.float32)
    f_ij = jax.random.normal(ks[3], (B, Na, Nnbh, n_spatial), dtype=jnp.float32)

    def init_w(k, shape, fan_in):
        return (jax.random.normal(k, shape, dtype=jnp.float32) / np.sqrt(fan_in)).astype(jnp.float32)

    # CFConv.in2f: Dense(n_atom_basis -> n_filters, bias=False)
    W_in2f = init_w(ks[4], (n_atom_basis, n_filters), n_atom_basis)
    # filter_network: Dense(n_spatial -> n_filters, shifted_softplus) -> Dense(n_filters -> n_filters)
    W_f1 = init_w(ks[5], (n_spatial, n_filters), n_spatial)
    b_f1 = jnp.zeros((n_filters,), dtype=jnp.float32)
    W_f2 = init_w(ks[6], (n_filters, n_filters), n_filters)
    b_f2 = jnp.zeros((n_filters,), dtype=jnp.float32)
    # f2out: Dense(n_filters -> n_atom_basis, shifted_softplus)
    W_out = init_w(ks[7], (n_filters, n_atom_basis), n_filters)
    b_out = jnp.zeros((n_atom_basis,), dtype=jnp.float32)
    # dense: Dense(n_atom_basis -> n_atom_basis, no activation)
    W_dense = init_w(ks[8], (n_atom_basis, n_atom_basis), n_atom_basis)
    b_dense = jnp.zeros((n_atom_basis,), dtype=jnp.float32)

    return {
        "x": x,
        "r_ij": r_ij,
        "neighbors": neighbors,
        "neighbor_mask": neighbor_mask,
        "f_ij": f_ij,
        "W_in2f": W_in2f,
        "W_f1": W_f1,
        "b_f1": b_f1,
        "W_f2": W_f2,
        "b_f2": b_f2,
        "W_out": W_out,
        "b_out": b_out,
        "W_dense": W_dense,
        "b_dense": b_dense,
    }


def reference(x, r_ij, neighbors, neighbor_mask, f_ij,
              W_in2f, W_f1, b_f1, W_f2, b_f2,
              W_out, b_out, W_dense, b_dense):
    B, Na, Nnbh = neighbors.shape
    n_filters = W_in2f.shape[1]

    # filter network on expanded distances: (B, Na, Nnbh, n_filters)
    W = shifted_softplus(jnp.einsum('bans,sf->banf', f_ij, W_f1) + b_f1)
    W = jnp.einsum('banf,fg->bang', W, W_f2) + b_f2

    # hard cutoff on raw distances
    C = (r_ij <= CUTOFF).astype(jnp.float32)
    W = W * C[..., None]

    # in2f projection then neighbor gather
    y = jnp.einsum('bai,if->baf', x, W_in2f)  # (B, Na, n_filters)
    nbh_flat = neighbors.reshape(B, Na * Nnbh)
    y_gathered = jnp.take_along_axis(y, nbh_flat[..., None], axis=1)
    y_gathered = y_gathered.reshape(B, Na, Nnbh, n_filters)

    # elementwise filter and masked sum-aggregation over neighbor axis
    sum1 = y_gathered * W
    v = jnp.sum(sum1 * neighbor_mask[..., None], axis=2)  # (B, Na, n_filters)

    # f2out (shifted_softplus activation) then final dense
    v = shifted_softplus(jnp.einsum('baf,fo->bao', v, W_out) + b_out)
    v = jnp.einsum('bao,op->bap', v, W_dense) + b_dense
    return v

if __name__ == "__main__":
    import jax
    _d = setup_inputs()
    print(jax.jit(kernel)(*tuple(_d.values())))

</pallas_src>

<mosaic_0001>
#map = affine_map<(d0, d1) -> (0, 0)>
module attributes {stable_mosaic.version = 14 : i64} {
  func.func @run(%arg0: i32, %arg1: i32, %arg2: memref<10008x128xf32, #tpu.memory_space<hbm>>, %arg3: memref<1x323584xi32, #tpu.memory_space<hbm>>, %arg4: memref<323584x128xf32, #tpu.memory_space<hbm>>, %arg5: memref<4x1x128xi32, #tpu.memory_space<vmem>>, %arg6: memref<3x128x128xf32, #tpu.memory_space<vmem>>, %arg7: memref<4x!tpu.dma_semaphore, #tpu.memory_space<semaphore_mem>>, %arg8: memref<4x!tpu.dma_semaphore, #tpu.memory_space<semaphore_mem>>, %arg9: memref<3x!tpu.dma_semaphore, #tpu.memory_space<semaphore_mem>>) attributes {dimension_semantics = [#tpu.dimension_semantics<core_parallel>, #tpu.dimension_semantics<subcore_parallel>], iteration_bounds = array<i64: 2, 16>, scalar_prefetch = 0 : i64, scratch_operands = 5 : i64, tpu.core_type = #tpu.core_type<sc_vector_subcore>, window_params = [{transform_indices = #map}, {transform_indices = #map}, {transform_indices = #map}]} {
    %mul3A = arith.constant 16 : i32
    %mul3A_0 = arith.muli %arg0, %mul3A : i32
    %add3A = arith.addi %mul3A_0, %arg1 : i32
    %mul3A_1 = arith.constant 79 : i32
    %mul3A_2 = arith.muli %add3A, %mul3A_1 : i32
    %add3A_3 = arith.constant 0 : i32
    %add3A_4 = arith.addi %mul3A_2, %add3A_3 : i32
    %mul3A_5 = arith.constant 128 : i32
    %mul3A_6 = arith.muli %add3A_4, %mul3A_5 : i32
    %dma_start3A = arith.constant 0 : i32
    %dma_start3A_7 = arith.constant 0 : i32
    %dma_start3A_8 = arith.constant 0 : i32
    %dma_start3A_9 = arith.constant 0 : i32
    %dma_start3A_10 = tpu.memref_slice %arg5[%dma_start3A, %dma_start3A_8, %dma_start3A_9] : memref<4x1x128xi32, #tpu.memory_space<vmem>> -> memref<1x1x128xi32, #tpu.memory_space<vmem>>
    %dma_start3A_11 = tpu.memref_squeeze %dma_start3A_10 : memref<1x1x128xi32, #tpu.memory_space<vmem>> -> memref<1x128xi32, #tpu.memory_space<vmem>>
    %dma_start3A_12 = arith.constant 0 : i32
    %dma_start3A_13 = tpu.memref_slice %arg3[%dma_start3A_12, %mul3A_6] : memref<1x323584xi32, #tpu.memory_space<hbm>> -> memref<1x128xi32, #tpu.memory_space<hbm>>
    %dma_start3A_14 = tpu.memref_slice %arg7[%dma_start3A_7] : memref<4x!tpu.dma_semaphore, #tpu.memory_space<semaphore_mem>> -> memref<1x!tpu.dma_semaphore, #tpu.memory_space<semaphore_mem>>
    %dma_start3A_15 = tpu.memref_squeeze %dma_start3A_14 : memref<1x!tpu.dma_semaphore, #tpu.memory_space<semaphore_mem>> -> memref<!tpu.dma_semaphore, #tpu.memory_space<semaphore_mem>>
    %dma_start3A_16 = arith.constant 0 : i32
    %dma_start3A_17 = arith.constant 0 : i32
    %dma_start3A_18 = tpu.memref_slice %arg5[%dma_start3A, %dma_start3A_16, %dma_start3A_17] : memref<4x1x128xi32, #tpu.memory_space<vmem>> -> memref<1x1x128xi32, #tpu.memory_space<vmem>>
    %dma_start3A_19 = tpu.memref_squeeze %dma_start3A_18 : memref<1x1x128xi32, #tpu.memory_space<vmem>> -> memref<1x128xi32, #tpu.memory_space<vmem>>
    %dma_start3A_20 = arith.constant 0 : i32
    %dma_start3A_21 = tpu.memref_slice %arg3[%dma_start3A_20, %mul3A_6] : memref<1x323584xi32, #tpu.memory_space<hbm>> -> memref<1x128xi32, #tpu.memory_space<hbm>>
    tpu.enqueue_dma source(%dma_start3A_21 : memref<1x128xi32, #tpu.memory_space<hbm>>) target(%dma_start3A_19 : memref<1x128xi32, #tpu.memory_space<vmem>>) target_semaphore(%dma_start3A_15 : memref<!tpu.dma_semaphore, #tpu.memory_space<semaphore_mem>>)
    %add3A_22 = arith.constant 1 : i32
    %add3A_23 = arith.addi %mul3A_2, %add3A_22 : i32
    %mul3A_24 = arith.constant 128 : i32
    %mul3A_25 = arith.muli %add3A_23, %mul3A_24 : i32
    %dma_start3A_26 = arith.constant 1 : i32
    %dma_start3A_27 = arith.constant 1 : i32
    %dma_start3A_28 = arith.constant 0 : i32
    %dma_start3A_29 = arith.constant 0 : i32
    %dma_start3A_30 = tpu.memref_slice %arg5[%dma_start3A_26, %dma_start3A_28, %dma_start3A_29] : memref<4x1x128xi32, #tpu.memory_space<vmem>> -> memref<1x1x128xi32, #tpu.memory_space<vmem>>
    %dma_start3A_31 = tpu.memref_squeeze %dma_start3A_30 : memref<1x1x128xi32, #tpu.memory_space<vmem>> -> memref<1x128xi32, #tpu.memory_space<vmem>>
    %dma_start3A_32 = arith.constant 0 : i32
    %dma_start3A_33 = tpu.memref_slice %arg3[%dma_start3A_32, %mul3A_25] : memref<1x323584xi32, #tpu.memory_space<hbm>> -> memref<1x128xi32, #tpu.memory_space<hbm>>
    %dma_start3A_34 = tpu.memref_slice %arg7[%dma_start3A_27] : memref<4x!tpu.dma_semaphore, #tpu.memory_space<semaphore_mem>> -> memref<1x!tpu.dma_semaphore, #tpu.memory_space<semaphore_mem>>
    %dma_start3A_35 = tpu.memref_squeeze %dma_start3A_34 : memref<1x!tpu.dma_semaphore, #tpu.memory_space<semaphore_mem>> -> memref<!tpu.dma_semaphore, #tpu.memory_space<semaphore_mem>>
    %dma_start3A_36 = arith.constant 0 : i32
    %dma_start3A_37 = arith.constant 0 : i32
    %dma_start3A_38 = tpu.memref_slice %arg5[%dma_start3A_26, %dma_start3A_36, %dma_start3A_37] : memref<4x1x128xi32, #tpu.memory_space<vmem>> -> memref<1x1x128xi32, #tpu.memory_space<vmem>>
    %dma_start3A_39 = tpu.memref_squeeze %dma_start3A_38 : memref<1x1x128xi32, #tpu.memory_space<vmem>> -> memref<1x128xi32, #tpu.memory_space<vmem>>
    %dma_start3A_40 = arith.constant 0 : i32
    %dma_start3A_41 = tpu.memref_slice %arg3[%dma_start3A_40, %mul3A_25] : memref<1x323584xi32, #tpu.memory_space<hbm>> -> memref<1x128xi32, #tpu.memory_space<hbm>>
    tpu.enqueue_dma source(%dma_start3A_41 : memref<1x128xi32, #tpu.memory_space<hbm>>) target(%dma_start3A_39 : memref<1x128xi32, #tpu.memory_space<vmem>>) target_semaphore(%dma_start3A_35 : memref<!tpu.dma_semaphore, #tpu.memory_space<semaphore_mem>>)
    %add3A_42 = arith.constant 2 : i32
    %add3A_43 = arith.addi %mul3A_2, %add3A_42 : i32
    %mul3A_44 = arith.constant 128 : i32
    %mul3A_45 = arith.muli %add3A_43, %mul3A_44 : i32
    %dma_start3A_46 = arith.constant 2 : i32
    %dma_start3A_47 = arith.constant 2 : i32
    %dma_start3A_48 = arith.constant 0 : i32
    %dma_start3A_49 = arith.constant 0 : i32
    %dma_start3A_50 = tpu.memref_slice %arg5[%dma_start3A_46, %dma_start3A_48, %dma_start3A_49] : memref<4x1x128xi32, #tpu.memory_space<vmem>> -> memref<1x1x128xi32, #tpu.memory_space<vmem>>
    %dma_start3A_51 = tpu.memref_squeeze %dma_start3A_50 : memref<1x1x128xi32, #tpu.memory_space<vmem>> -> memref<1x128xi32, #tpu.memory_space<vmem>>
    %dma_start3A_52 = arith.constant 0 : i32
    %dma_start3A_53 = tpu.memref_slice %arg3[%dma_start3A_52, %mul3A_45] : memref<1x323584xi32, #tpu.memory_space<hbm>> -> memref<1x128xi32, #tpu.memory_space<hbm>>
    %dma_start3A_54 = tpu.memref_slice %arg7[%dma_start3A_47] : memref<4x!tpu.dma_semaphore, #tpu.memory_space<semaphore_mem>> -> memref<1x!tpu.dma_semaphore, #tpu.memory_space<semaphore_mem>>
    %dma_start3A_55 = tpu.memref_squeeze %dma_start3A_54 : memref<1x!tpu.dma_semaphore, #tpu.memory_space<semaphore_mem>> -> memref<!tpu.dma_semaphore, #tpu.memory_space<semaphore_mem>>
    %dma_start3A_56 = arith.constant 0 : i32
    %dma_start3A_57 = arith.constant 0 : i32
    %dma_start3A_58 = tpu.memref_slice %arg5[%dma_start3A_46, %dma_start3A_56, %dma_start3A_57] : memref<4x1x128xi32, #tpu.memory_space<vmem>> -> memref<1x1x128xi32, #tpu.memory_space<vmem>>
    %dma_start3A_59 = tpu.memref_squeeze %dma_start3A_58 : memref<1x1x128xi32, #tpu.memory_space<vmem>> -> memref<1x128xi32, #tpu.memory_space<vmem>>
    %dma_start3A_60 = arith.constant 0 : i32
    %dma_start3A_61 = tpu.memref_slice %arg3[%dma_start3A_60, %mul3A_45] : memref<1x323584xi32, #tpu.memory_space<hbm>> -> memref<1x128xi32, #tpu.memory_space<hbm>>
    tpu.enqueue_dma source(%dma_start3A_61 : memref<1x128xi32, #tpu.memory_space<hbm>>) target(%dma_start3A_59 : memref<1x128xi32, #tpu.memory_space<vmem>>) target_semaphore(%dma_start3A_55 : memref<!tpu.dma_semaphore, #tpu.memory_space<semaphore_mem>>)
    %add3A_62 = arith.constant 3 : i32
    %add3A_63 = arith.addi %mul3A_2, %add3A_62 : i32
    %mul3A_64 = arith.constant 128 : i32
    %mul3A_65 = arith.muli %add3A_63, %mul3A_64 : i32
    %dma_start3A_66 = arith.constant 3 : i32
    %dma_start3A_67 = arith.constant 3 : i32
    %dma_start3A_68 = arith.constant 0 : i32
    %dma_start3A_69 = arith.constant 0 : i32
    %dma_start3A_70 = tpu.memref_slice %arg5[%dma_start3A_66, %dma_start3A_68, %dma_start3A_69] : memref<4x1x128xi32, #tpu.memory_space<vmem>> -> memref<1x1x128xi32, #tpu.memory_space<vmem>>
    %dma_start3A_71 = tpu.memref_squeeze %dma_start3A_70 : memref<1x1x128xi32, #tpu.memory_space<vmem>> -> memref<1x128xi32, #tpu.memory_space<vmem>>
    %dma_start3A_72 = arith.constant 0 : i32
    %dma_start3A_73 = tpu.memref_slice %arg3[%dma_start3A_72, %mul3A_65] : memref<1x323584xi32, #tpu.memory_space<hbm>> -> memref<1x128xi32, #tpu.memory_space<hbm>>
    %dma_start3A_74 = tpu.memref_slice %arg7[%dma_start3A_67] : memref<4x!tpu.dma_semaphore, #tpu.memory_space<semaphore_mem>> -> memref<1x!tpu.dma_semaphore, #tpu.memory_space<semaphore_mem>>
    %dma_start3A_75 = tpu.memref_squeeze %dma_start3A_74 : memref<1x!tpu.dma_semaphore, #tpu.memory_space<semaphore_mem>> -> memref<!tpu.dma_semaphore, #tpu.memory_space<semaphore_mem>>
    %dma_start3A_76 = arith.constant 0 : i32
    %dma_start3A_77 = arith.constant 0 : i32
    %dma_start3A_78 = tpu.memref_slice %arg5[%dma_start3A_66, %dma_start3A_76, %dma_start3A_77] : memref<4x1x128xi32, #tpu.memory_space<vmem>> -> memref<1x1x128xi32, #tpu.memory_space<vmem>>
    %dma_start3A_79 = tpu.memref_squeeze %dma_start3A_78 : memref<1x1x128xi32, #tpu.memory_space<vmem>> -> memref<1x128xi32, #tpu.memory_space<vmem>>
    %dma_start3A_80 = arith.constant 0 : i32
    %dma_start3A_81 = tpu.memref_slice %arg3[%dma_start3A_80, %mul3A_65] : memref<1x323584xi32, #tpu.memory_space<hbm>> -> memref<1x128xi32, #tpu.memory_space<hbm>>
    tpu.enqueue_dma source(%dma_start3A_81 : memref<1x128xi32, #tpu.memory_space<hbm>>) target(%dma_start3A_79 : memref<1x128xi32, #tpu.memory_space<vmem>>) target_semaphore(%dma_start3A_75 : memref<!tpu.dma_semaphore, #tpu.memory_space<semaphore_mem>>)
    %scan3A = arith.constant 0 : i32
    %scan3A_82 = arith.constant 79 : i32
    %scan3A_83 = arith.addi %scan3A, %scan3A_82 : i32
    %scan3A_84 = arith.constant 1 : i32
    scf.for %scan3A_217 = %scan3A to %scan3A_83 step %scan3A_84  : i32 {
      %mul3A_218 = arith.constant 1 : i32
      %mul3A_219 = arith.muli %scan3A_217, %mul3A_218 : i32
      %add3A_220 = arith.constant 0 : i32
      %add3A_221 = arith.addi %add3A_220, %mul3A_219 : i32
      %ge3A = arith.constant 2 : i32
      %ge3A_222 = arith.cmpi sge, %add3A_221, %ge3A : i32
      %convert_element_type3A = arith.extui %ge3A_222 : i1 to i32
      %cond3A = arith.constant 0 : i32
      %cond3A_223 = arith.cmpi ne, %convert_element_type3A, %cond3A : i32
      scf.if %cond3A_223 {
        %sub3A = arith.constant 2 : i32
        %sub3A_332 = arith.subi %add3A_221, %sub3A : i32
        %jit3A_333 = arith.constant 4 : i32
        %eq3A_334 = arith.constant 0 : i32
        %eq3A_335 = arith.cmpi eq, %jit3A_333, %eq3A_334 : i32
        %jit3A_336 = arith.constant 1 : i32
        %select_n3A_337 = arith.select %eq3A_335, %jit3A_336, %jit3A_333 : i32
        %rem3A_338 = arith.remsi %sub3A_332, %select_n3A_337 : i32
        %ne3A_339 = arith.constant 0 : i32
        %ne3A_340 = arith.cmpi ne, %rem3A_338, %ne3A_339 : i32
        %lt3A_341 = arith.constant 0 : i32
        %lt3A_342 = arith.cmpi slt, %rem3A_338, %lt3A_341 : i32
        %lt3A_343 = arith.constant 0 : i32
        %lt3A_344 = arith.cmpi slt, %select_n3A_337, %lt3A_343 : i32
        %ne3A_345 = arith.xori %lt3A_342, %lt3A_344 : i1
        %and3A_346 = arith.andi %ne3A_345, %ne3A_340 : i1
        %add3A_347 = arith.addi %rem3A_338, %select_n3A_337 : i32
        %select_n3A_348 = arith.select %and3A_346, %add3A_347, %rem3A_338 : i32
        %jit3A_349 = arith.constant 3 : i32
        %eq3A_350 = arith.constant 0 : i32
        %eq3A_351 = arith.cmpi eq, %jit3A_349, %eq3A_350 : i32
        %jit3A_352 = arith.constant 1 : i32
        %select_n3A_353 = arith.select %eq3A_351, %jit3A_352, %jit3A_349 : i32
        %rem3A_354 = arith.remsi %sub3A_332, %select_n3A_353 : i32
        %ne3A_355 = arith.constant 0 : i32
        %ne3A_356 = arith.cmpi ne, %rem3A_354, %ne3A_355 : i32
        %lt3A_357 = arith.constant 0 : i32
        %lt3A_358 = arith.cmpi slt, %rem3A_354, %lt3A_357 : i32
        %lt3A_359 = arith.constant 0 : i32
        %lt3A_360 = arith.cmpi slt, %select_n3A_353, %lt3A_359 : i32
        %ne3A_361 = arith.xori %lt3A_358, %lt3A_360 : i1
        %and3A_362 = arith.andi %ne3A_361, %ne3A_356 : i1
        %add3A_363 = arith.addi %rem3A_354, %select_n3A_353 : i32
        %select_n3A_364 = arith.select %and3A_362, %add3A_363, %rem3A_354 : i32
        %jit3A_365 = arith.constant 4 : i32
        %eq3A_366 = arith.constant 0 : i32
        %eq3A_367 = arith.cmpi eq, %jit3A_365, %eq3A_366 : i32
        %jit3A_368 = arith.constant 1 : i32
        %select_n3A_369 = arith.select %eq3A_367, %jit3A_368, %jit3A_365 : i32
        %rem3A_370 = arith.remsi %sub3A_332, %select_n3A_369 : i32
        %ne3A_371 = arith.constant 0 : i32
        %ne3A_372 = arith.cmpi ne, %rem3A_370, %ne3A_371 : i32
        %lt3A_373 = arith.constant 0 : i32
        %lt3A_374 = arith.cmpi slt, %rem3A_370, %lt3A_373 : i32
        %lt3A_375 = arith.constant 0 : i32
        %lt3A_376 = arith.cmpi slt, %select_n3A_369, %lt3A_375 : i32
        %ne3A_377 = arith.xori %lt3A_374, %lt3A_376 : i1
        %and3A_378 = arith.andi %ne3A_377, %ne3A_372 : i1
        %add3A_379 = arith.addi %rem3A_370, %select_n3A_369 : i32
        %select_n3A_380 = arith.select %and3A_378, %add3A_379, %rem3A_370 : i32
        %dma_wait3A_381 = arith.constant 0 : i32
        %dma_wait3A_382 = arith.constant 0 : i32
        %dma_wait3A_383 = arith.constant 0 : i32
        %dma_wait3A_384 = tpu.memref_slice %arg6[%select_n3A_364, %dma_wait3A_382, %dma_wait3A_383] : memref<3x128x128xf32, #tpu.memory_space<vmem>> -> memref<1x128x128xf32, #tpu.memory_space<vmem>>
        %dma_wait3A_385 = tpu.memref_squeeze %dma_wait3A_384 : memref<1x128x128xf32, #tpu.memory_space<vmem>> -> memref<128x128xf32, #tpu.memory_space<vmem>>
        %dma_wait3A_386 = arith.constant 0 : i32
        %dma_wait3A_387 = tpu.memref_slice %arg5[%select_n3A_348, %dma_wait3A_381, %dma_wait3A_386] : memref<4x1x128xi32, #tpu.memory_space<vmem>> -> memref<1x1x128xi32, #tpu.memory_space<vmem>>
        %dma_wait3A_388 = tpu.memref_squeeze %dma_wait3A_387 : memref<1x1x128xi32, #tpu.memory_space<vmem>> -> memref<128xi32, #tpu.memory_space<vmem>>
        %dma_wait3A_389 = arith.constant 0 : i32
        %dma_wait3A_390 = arith.constant 0 : i32
        %dma_wait3A_391 = tpu.memref_slice %arg2[%dma_wait3A_389, %dma_wait3A_390] : memref<10008x128xf32, #tpu.memory_space<hbm>> -> memref<10008x128xf32, #tpu.memory_space<hbm>>
        %dma_wait3A_392 = tpu.memref_slice %arg8[%select_n3A_380] : memref<4x!tpu.dma_semaphore, #tpu.memory_space<semaphore_mem>> -> memref<1x!tpu.dma_semaphore, #tpu.memory_space<semaphore_mem>>
        %dma_wait3A_393 = tpu.memref_squeeze %dma_wait3A_392 : memref<1x!tpu.dma_semaphore, #tpu.memory_space<semaphore_mem>> -> memref<!tpu.dma_semaphore, #tpu.memory_space<semaphore_mem>>
        tpu.wait_indirect_dma semaphore(%dma_wait3A_393 : memref<!tpu.dma_semaphore, #tpu.memory_space<semaphore_mem>>) src(%dma_wait3A_391 : memref<10008x128xf32, #tpu.memory_space<hbm>>) dst(%dma_wait3A_385 : memref<128x128xf32, #tpu.memory_space<vmem>>)
        %sub3A_394 = arith.constant 2 : i32
        %sub3A_395 = arith.subi %add3A_221, %sub3A_394 : i32
        %jit3A_396 = arith.constant 3 : i32
        %eq3A_397 = arith.constant 0 : i32
        %eq3A_398 = arith.cmpi eq, %jit3A_396, %eq3A_397 : i32
        %jit3A_399 = arith.constant 1 : i32
        %select_n3A_400 = arith.select %eq3A_398, %jit3A_399, %jit3A_396 : i32
        %rem3A_401 = arith.remsi %sub3A_395, %select_n3A_400 : i32
        %ne3A_402 = arith.constant 0 : i32
        %ne3A_403 = arith.cmpi ne, %rem3A_401, %ne3A_402 : i32
        %lt3A_404 = arith.constant 0 : i32
        %lt3A_405 = arith.cmpi slt, %rem3A_401, %lt3A_404 : i32
        %lt3A_406 = arith.constant 0 : i32
        %lt3A_407 = arith.cmpi slt, %select_n3A_400, %lt3A_406 : i32
        %ne3A_408 = arith.xori %lt3A_405, %lt3A_407 : i1
        %and3A_409 = arith.andi %ne3A_408, %ne3A_403 : i1
        %add3A_410 = arith.addi %rem3A_401, %select_n3A_400 : i32
        %select_n3A_411 = arith.select %and3A_409, %add3A_410, %rem3A_401 : i32
        %add3A_412 = arith.addi %mul3A_2, %sub3A_395 : i32
        %mul3A_413 = arith.constant 128 : i32
        %mul3A_414 = arith.muli %add3A_412, %mul3A_413 : i32
        %jit3A_415 = arith.constant 3 : i32
        %eq3A_416 = arith.constant 0 : i32
        %eq3A_417 = arith.cmpi eq, %jit3A_415, %eq3A_416 : i32
        %jit3A_418 = arith.constant 1 : i32
        %select_n3A_419 = arith.select %eq3A_417, %jit3A_418, %jit3A_415 : i32
        %rem3A_420 = arith.remsi %sub3A_395, %select_n3A_419 : i32
        %ne3A_421 = arith.constant 0 : i32
        %ne3A_422 = arith.cmpi ne, %rem3A_420, %ne3A_421 : i32
        %lt3A_423 = arith.constant 0 : i32
        %lt3A_424 = arith.cmpi slt, %rem3A_420, %lt3A_423 : i32
        %lt3A_425 = arith.constant 0 : i32
        %lt3A_426 = arith.cmpi slt, %select_n3A_419, %lt3A_425 : i32
        %ne3A_427 = arith.xori %lt3A_424, %lt3A_426 : i1
        %and3A_428 = arith.andi %ne3A_427, %ne3A_422 : i1
        %add3A_429 = arith.addi %rem3A_420, %select_n3A_419 : i32
        %select_n3A_430 = arith.select %and3A_428, %add3A_429, %rem3A_420 : i32
        %dma_start3A_431 = arith.constant 0 : i32
        %dma_start3A_432 = arith.constant 0 : i32
        %dma_start3A_433 = tpu.memref_slice %arg6[%select_n3A_411, %dma_start3A_431, %dma_start3A_432] : memref<3x128x128xf32, #tpu.memory_space<vmem>> -> memref<1x128x128xf32, #tpu.memory_space<vmem>>
        %dma_start3A_434 = tpu.memref_squeeze %dma_start3A_433 : memref<1x128x128xf32, #tpu.memory_space<vmem>> -> memref<128x128xf32, #tpu.memory_space<vmem>>
        %dma_start3A_435 = arith.constant 0 : i32
        %dma_start3A_436 = tpu.memref_slice %arg4[%mul3A_414, %dma_start3A_435] : memref<323584x128xf32, #tpu.memory_space<hbm>> -> memref<128x128xf32, #tpu.memory_space<hbm>>
        %dma_start3A_437 = tpu.memref_slice %arg9[%select_n3A_430] : memref<3x!tpu.dma_semaphore, #tpu.memory_space<semaphore_mem>> -> memref<1x!tpu.dma_semaphore, #tpu.memory_space<semaphore_mem>>
        %dma_start3A_438 = tpu.memref_squeeze %dma_start3A_437 : memref<1x!tpu.dma_semaphore, #tpu.memory_space<semaphore_mem>> -> memref<!tpu.dma_semaphore, #tpu.memory_space<semaphore_mem>>
        %dma_start3A_439 = arith.constant 0 : i32
        %dma_start3A_440 = tpu.memref_slice %arg4[%mul3A_414, %dma_start3A_439] : memref<323584x128xf32, #tpu.memory_space<hbm>> -> memref<128x128xf32, #tpu.memory_space<hbm>>
        %dma_start3A_441 = arith.constant 0 : i32
        %dma_start3A_442 = arith.constant 0 : i32
        %dma_start3A_443 = tpu.memref_slice %arg6[%select_n3A_411, %dma_start3A_441, %dma_start3A_442] : memref<3x128x128xf32, #tpu.memory_space<vmem>> -> memref<1x128x128xf32, #tpu.memory_space<vmem>>
        %dma_start3A_444 = tpu.memref_squeeze %dma_start3A_443 : memref<1x128x128xf32, #tpu.memory_space<vmem>> -> memref<128x128xf32, #tpu.memory_space<vmem>>
        tpu.enqueue_dma source(%dma_start3A_444 : memref<128x128xf32, #tpu.memory_space<vmem>>) target(%dma_start3A_440 : memref<128x128xf32, #tpu.memory_space<hbm>>) target_semaphore(%dma_start3A_438 : memref<!tpu.dma_semaphore, #tpu.memory_space<semaphore_mem>>)
        %add3A_445 = arith.constant 2 : i32
        %add3A_446 = arith.addi %add3A_221, %add3A_445 : i32
        %lt3A_447 = arith.constant 79 : i32
        %lt3A_448 = arith.cmpi slt, %add3A_446, %lt3A_447 : i32
        %convert_element_type3A_449 = arith.extui %lt3A_448 : i1 to i32
        %cond3A_450 = arith.constant 0 : i32
        %cond3A_451 = arith.cmpi ne, %convert_element_type3A_449, %cond3A_450 : i32
        scf.if %cond3A_451 {
          %add3A_452 = arith.constant 2 : i32
          %add3A_453 = arith.addi %add3A_221, %add3A_452 : i32
          %add3A_454 = arith.addi %mul3A_2, %add3A_453 : i32
          %mul3A_455 = arith.constant 128 : i32
          %mul3A_456 = arith.muli %add3A_454, %mul3A_455 : i32
          %jit3A_457 = arith.constant 4 : i32
          %eq3A_458 = arith.constant 0 : i32
          %eq3A_459 = arith.cmpi eq, %jit3A_457, %eq3A_458 : i32
          %jit3A_460 = arith.constant 1 : i32
          %select_n3A_461 = arith.select %eq3A_459, %jit3A_460, %jit3A_457 : i32
          %rem3A_462 = arith.remsi %add3A_453, %select_n3A_461 : i32
          %ne3A_463 = arith.constant 0 : i32
          %ne3A_464 = arith.cmpi ne, %rem3A_462, %ne3A_463 : i32
          %lt3A_465 = arith.constant 0 : i32
          %lt3A_466 = arith.cmpi slt, %rem3A_462, %lt3A_465 : i32
          %lt3A_467 = arith.constant 0 : i32
          %lt3A_468 = arith.cmpi slt, %select_n3A_461, %lt3A_467 : i32
          %ne3A_469 = arith.xori %lt3A_466, %lt3A_468 : i1
          %and3A_470 = arith.andi %ne3A_469, %ne3A_464 : i1
          %add3A_471 = arith.addi %rem3A_462, %select_n3A_461 : i32
          %select_n3A_472 = arith.select %and3A_470, %add3A_471, %rem3A_462 : i32
          %jit3A_473 = arith.constant 4 : i32
          %eq3A_474 = arith.constant 0 : i32
          %eq3A_475 = arith.cmpi eq, %jit3A_473, %eq3A_474 : i32
          %jit3A_476 = arith.constant 1 : i32
          %select_n3A_477 = arith.select %eq3A_475, %jit3A_476, %jit3A_473 : i32
          %rem3A_478 = arith.remsi %add3A_453, %select_n3A_477 : i32
          %ne3A_479 = arith.constant 0 : i32
          %ne3A_480 = arith.cmpi ne, %rem3A_478, %ne3A_479 : i32
          %lt3A_481 = arith.constant 0 : i32
          %lt3A_482 = arith.cmpi slt, %rem3A_478, %lt3A_481 : i32
          %lt3A_483 = arith.constant 0 : i32
          %lt3A_484 = arith.cmpi slt, %select_n3A_477, %lt3A_483 : i32
          %ne3A_485 = arith.xori %lt3A_482, %lt3A_484 : i1
          %and3A_486 = arith.andi %ne3A_485, %ne3A_480 : i1
          %add3A_487 = arith.addi %rem3A_478, %select_n3A_477 : i32
          %select_n3A_488 = arith.select %and3A_486, %add3A_487, %rem3A_478 : i32
          %dma_start3A_489 = arith.constant 0 : i32
          %dma_start3A_490 = arith.constant 0 : i32
          %dma_start3A_491 = tpu.memref_slice %arg5[%select_n3A_472, %dma_start3A_489, %dma_start3A_490] : memref<4x1x128xi32, #tpu.memory_space<vmem>> -> memref<1x1x128xi32, #tpu.memory_space<vmem>>
          %dma_start3A_492 = tpu.memref_squeeze %dma_start3A_491 : memref<1x1x128xi32, #tpu.memory_space<vmem>> -> memref<1x128xi32, #tpu.memory_space<vmem>>
          %dma_start3A_493 = arith.constant 0 : i32
          %dma_start3A_494 = tpu.memref_slice %arg3[%dma_start3A_493, %mul3A_456] : memref<1x323584xi32, #tpu.memory_space<hbm>> -> memref<1x128xi32, #tpu.memory_space<hbm>>
          %dma_start3A_495 = tpu.memref_slice %arg7[%select_n3A_488] : memref<4x!tpu.dma_semaphore, #tpu.memory_space<semaphore_mem>> -> memref<1x!tpu.dma_semaphore, #tpu.memory_space<semaphore_mem>>
          %dma_start3A_496 = tpu.memref_squeeze %dma_start3A_495 : memref<1x!tpu.dma_semaphore, #tpu.memory_space<semaphore_mem>> -> memref<!tpu.dma_semaphore, #tpu.memory_space<semaphore_mem>>
          %dma_start3A_497 = arith.constant 0 : i32
          %dma_start3A_498 = arith.constant 0 : i32
          %dma_start3A_499 = tpu.memref_slice %arg5[%select_n3A_472, %dma_start3A_497, %dma_start3A_498] : memref<4x1x128xi32, #tpu.memory_space<vmem>> -> memref<1x1x128xi32, #tpu.memory_space<vmem>>
          %dma_start3A_500 = tpu.memref_squeeze %dma_start3A_499 : memref<1x1x128xi32, #tpu.memory_space<vmem>> -> memref<1x128xi32, #tpu.memory_space<vmem>>
          %dma_start3A_501 = arith.constant 0 : i32
          %dma_start3A_502 = tpu.memref_slice %arg3[%dma_start3A_501, %mul3A_456] : memref<1x323584xi32, #tpu.memory_space<hbm>> -> memref<1x128xi32, #tpu.memory_space<hbm>>
          tpu.enqueue_dma source(%dma_start3A_502 : memref<1x128xi32, #tpu.memory_space<hbm>>) target(%dma_start3A_500 : memref<1x128xi32, #tpu.memory_space<vmem>>) target_semaphore(%dma_start3A_496 : memref<!tpu.dma_semaphore, #tpu.memory_space<semaphore_mem>>)
        } else {
        }
      } else {
      }
      %ge3A_224 = arith.constant 3 : i32
      %ge3A_225 = arith.cmpi sge, %add3A_221, %ge3A_224 : i32
      %convert_element_type3A_226 = arith.extui %ge3A_225 : i1 to i32
      %cond3A_227 = arith.constant 0 : i32
      %cond3A_228 = arith.cmpi ne, %convert_element_type3A_226, %cond3A_227 : i32
      scf.if %cond3A_228 {
        %sub3A = arith.constant 3 : i32
        %sub3A_332 = arith.subi %add3A_221, %sub3A : i32
        %jit3A_333 = arith.constant 3 : i32
        %eq3A_334 = arith.constant 0 : i32
        %eq3A_335 = arith.cmpi eq, %jit3A_333, %eq3A_334 : i32
        %jit3A_336 = arith.constant 1 : i32
        %select_n3A_337 = arith.select %eq3A_335, %jit3A_336, %jit3A_333 : i32
        %rem3A_338 = arith.remsi %sub3A_332, %select_n3A_337 : i32
        %ne3A_339 = arith.constant 0 : i32
        %ne3A_340 = arith.cmpi ne, %rem3A_338, %ne3A_339 : i32
        %lt3A_341 = arith.constant 0 : i32
        %lt3A_342 = arith.cmpi slt, %rem3A_338, %lt3A_341 : i32
        %lt3A_343 = arith.constant 0 : i32
        %lt3A_344 = arith.cmpi slt, %select_n3A_337, %lt3A_343 : i32
        %ne3A_345 = arith.xori %lt3A_342, %lt3A_344 : i1
        %and3A_346 = arith.andi %ne3A_345, %ne3A_340 : i1
        %add3A_347 = arith.addi %rem3A_338, %select_n3A_337 : i32
        %select_n3A_348 = arith.select %and3A_346, %add3A_347, %rem3A_338 : i32
        %add3A_349 = arith.addi %mul3A_2, %sub3A_332 : i32
        %mul3A_350 = arith.constant 128 : i32
        %mul3A_351 = arith.muli %add3A_349, %mul3A_350 : i32
        %jit3A_352 = arith.constant 3 : i32
        %eq3A_353 = arith.constant 0 : i32
        %eq3A_354 = arith.cmpi eq, %jit3A_352, %eq3A_353 : i32
        %jit3A_355 = arith.constant 1 : i32
        %select_n3A_356 = arith.select %eq3A_354, %jit3A_355, %jit3A_352 : i32
        %rem3A_357 = arith.remsi %sub3A_332, %select_n3A_356 : i32
        %ne3A_358 = arith.constant 0 : i32
        %ne3A_359 = arith.cmpi ne, %rem3A_357, %ne3A_358 : i32
        %lt3A_360 = arith.constant 0 : i32
        %lt3A_361 = arith.cmpi slt, %rem3A_357, %lt3A_360 : i32
        %lt3A_362 = arith.constant 0 : i32
        %lt3A_363 = arith.cmpi slt, %select_n3A_356, %lt3A_362 : i32
        %ne3A_364 = arith.xori %lt3A_361, %lt3A_363 : i1
        %and3A_365 = arith.andi %ne3A_364, %ne3A_359 : i1
        %add3A_366 = arith.addi %rem3A_357, %select_n3A_356 : i32
        %select_n3A_367 = arith.select %and3A_365, %add3A_366, %rem3A_357 : i32
        %dma_wait3A_368 = arith.constant 0 : i32
        %dma_wait3A_369 = arith.constant 0 : i32
        %dma_wait3A_370 = tpu.memref_slice %arg6[%select_n3A_348, %dma_wait3A_368, %dma_wait3A_369] : memref<3x128x128xf32, #tpu.memory_space<vmem>> -> memref<1x128x128xf32, #tpu.memory_space<vmem>>
        %dma_wait3A_371 = tpu.memref_squeeze %dma_wait3A_370 : memref<1x128x128xf32, #tpu.memory_space<vmem>> -> memref<128x128xf32, #tpu.memory_space<vmem>>
        %dma_wait3A_372 = arith.constant 0 : i32
        %dma_wait3A_373 = tpu.memref_slice %arg4[%mul3A_351, %dma_wait3A_372] : memref<323584x128xf32, #tpu.memory_space<hbm>> -> memref<128x128xf32, #tpu.memory_space<hbm>>
        %dma_wait3A_374 = tpu.memref_slice %arg9[%select_n3A_367] : memref<3x!tpu.dma_semaphore, #tpu.memory_space<semaphore_mem>> -> memref<1x!tpu.dma_semaphore, #tpu.memory_space<semaphore_mem>>
        %dma_wait3A_375 = tpu.memref_squeeze %dma_wait3A_374 : memref<1x!tpu.dma_semaphore, #tpu.memory_space<semaphore_mem>> -> memref<!tpu.dma_semaphore, #tpu.memory_space<semaphore_mem>>
        %dma_wait3A_376 = arith.constant 0 : i32
        %dma_wait3A_377 = tpu.memref_slice %arg4[%mul3A_351, %dma_wait3A_376] : memref<323584x128xf32, #tpu.memory_space<hbm>> -> memref<128x128xf32, #tpu.memory_space<hbm>>
        %dma_wait3A_378 = arith.constant 0 : i32
        %dma_wait3A_379 = arith.constant 0 : i32
        %dma_wait3A_380 = tpu.memref_slice %arg6[%select_n3A_348, %dma_wait3A_378, %dma_wait3A_379] : memref<3x128x128xf32, #tpu.memory_space<vmem>> -> memref<1x128x128xf32, #tpu.memory_space<vmem>>
        %dma_wait3A_381 = tpu.memref_squeeze %dma_wait3A_380 : memref<1x128x128xf32, #tpu.memory_space<vmem>> -> memref<128x128xf32, #tpu.memory_space<vmem>>
        tpu.wait_dma2 semaphore(%dma_wait3A_375 : memref<!tpu.dma_semaphore, #tpu.memory_space<semaphore_mem>>) src(%dma_wait3A_381 : memref<128x128xf32, #tpu.memory_space<vmem>>) dst(%dma_wait3A_377 : memref<128x128xf32, #tpu.memory_space<hbm>>)
      } else {
      }
      %add3A_229 = arith.addi %mul3A_2, %add3A_221 : i32
      %mul3A_230 = arith.constant 128 : i32
      %mul3A_231 = arith.muli %add3A_229, %mul3A_230 : i32
      %jit3A = arith.constant 4 : i32
      %eq3A = arith.constant 0 : i32
      %eq3A_232 = arith.cmpi eq, %jit3A, %eq3A : i32
      %jit3A_233 = arith.constant 1 : i32
      %select_n3A = arith.select %eq3A_232, %jit3A_233, %jit3A : i32
      %rem3A = arith.remsi %add3A_221, %select_n3A : i32
      %ne3A = arith.constant 0 : i32
      %ne3A_234 = arith.cmpi ne, %rem3A, %ne3A : i32
      %lt3A = arith.constant 0 : i32
      %lt3A_235 = arith.cmpi slt, %rem3A, %lt3A : i32
      %lt3A_236 = arith.constant 0 : i32
      %lt3A_237 = arith.cmpi slt, %select_n3A, %lt3A_236 : i32
      %ne3A_238 = arith.xori %lt3A_235, %lt3A_237 : i1
      %and3A = arith.andi %ne3A_238, %ne3A_234 : i1
      %add3A_239 = arith.addi %rem3A, %select_n3A : i32
      %select_n3A_240 = arith.select %and3A, %add3A_239, %rem3A : i32
      %jit3A_241 = arith.constant 4 : i32
      %eq3A_242 = arith.constant 0 : i32
      %eq3A_243 = arith.cmpi eq, %jit3A_241, %eq3A_242 : i32
      %jit3A_244 = arith.constant 1 : i32
      %select_n3A_245 = arith.select %eq3A_243, %jit3A_244, %jit3A_241 : i32
      %rem3A_246 = arith.remsi %add3A_221, %select_n3A_245 : i32
      %ne3A_247 = arith.constant 0 : i32
      %ne3A_248 = arith.cmpi ne, %rem3A_246, %ne3A_247 : i32
      %lt3A_249 = arith.constant 0 : i32
      %lt3A_250 = arith.cmpi slt, %rem3A_246, %lt3A_249 : i32
      %lt3A_251 = arith.constant 0 : i32
      %lt3A_252 = arith.cmpi slt, %select_n3A_245, %lt3A_251 : i32
      %ne3A_253 = arith.xori %lt3A_250, %lt3A_252 : i1
      %and3A_254 = arith.andi %ne3A_253, %ne3A_248 : i1
      %add3A_255 = arith.addi %rem3A_246, %select_n3A_245 : i32
      %select_n3A_256 = arith.select %and3A_254, %add3A_255, %rem3A_246 : i32
      %dma_wait3A_257 = arith.constant 0 : i32
      %dma_wait3A_258 = arith.constant 0 : i32
      %dma_wait3A_259 = tpu.memref_slice %arg5[%select_n3A_240, %dma_wait3A_257, %dma_wait3A_258] : memref<4x1x128xi32, #tpu.memory_space<vmem>> -> memref<1x1x128xi32, #tpu.memory_space<vmem>>
      %dma_wait3A_260 = tpu.memref_squeeze %dma_wait3A_259 : memref<1x1x128xi32, #tpu.memory_space<vmem>> -> memref<1x128xi32, #tpu.memory_space<vmem>>
      %dma_wait3A_261 = arith.constant 0 : i32
      %dma_wait3A_262 = tpu.memref_slice %arg3[%dma_wait3A_261, %mul3A_231] : memref<1x323584xi32, #tpu.memory_space<hbm>> -> memref<1x128xi32, #tpu.memory_space<hbm>>
      %dma_wait3A_263 = tpu.memref_slice %arg7[%select_n3A_256] : memref<4x!tpu.dma_semaphore, #tpu.memory_space<semaphore_mem>> -> memref<1x!tpu.dma_semaphore, #tpu.memory_space<semaphore_mem>>
      %dma_wait3A_264 = tpu.memref_squeeze %dma_wait3A_263 : memref<1x!tpu.dma_semaphore, #tpu.memory_space<semaphore_mem>> -> memref<!tpu.dma_semaphore, #tpu.memory_space<semaphore_mem>>
      %dma_wait3A_265 = arith.constant 0 : i32
      %dma_wait3A_266 = arith.constant 0 : i32
      %dma_wait3A_267 = tpu.memref_slice %arg5[%select_n3A_240, %dma_wait3A_265, %dma_wait3A_266] : memref<4x1x128xi32, #tpu.memory_space<vmem>> -> memref<1x1x128xi32, #tpu.memory_space<vmem>>
      %dma_wait3A_268 = tpu.memref_squeeze %dma_wait3A_267 : memref<1x1x128xi32, #tpu.memory_space<vmem>> -> memref<1x128xi32, #tpu.memory_space<vmem>>
      %dma_wait3A_269 = arith.constant 0 : i32
      %dma_wait3A_270 = tpu.memref_slice %arg3[%dma_wait3A_269, %mul3A_231] : memref<1x323584xi32, #tpu.memory_space<hbm>> -> memref<1x128xi32, #tpu.memory_space<hbm>>
      tpu.wait_dma2 semaphore(%dma_wait3A_264 : memref<!tpu.dma_semaphore, #tpu.memory_space<semaphore_mem>>) src(%dma_wait3A_270 : memref<1x128xi32, #tpu.memory_space<hbm>>) dst(%dma_wait3A_268 : memref<1x128xi32, #tpu.memory_space<vmem>>)
      %jit3A_271 = arith.constant 4 : i32
      %eq3A_272 = arith.constant 0 : i32
      %eq3A_273 = arith.cmpi eq, %jit3A_271, %eq3A_272 : i32
      %jit3A_274 = arith.constant 1 : i32
      %select_n3A_275 = arith.select %eq3A_273, %jit3A_274, %jit3A_271 : i32
      %rem3A_276 = arith.remsi %add3A_221, %select_n3A_275 : i32
      %ne3A_277 = arith.constant 0 : i32
      %ne3A_278 = arith.cmpi ne, %rem3A_276, %ne3A_277 : i32
      %lt3A_279 = arith.constant 0 : i32
      %lt3A_280 = arith.cmpi slt, %rem3A_276, %lt3A_279 : i32
      %lt3A_281 = arith.constant 0 : i32
      %lt3A_282 = arith.cmpi slt, %select_n3A_275, %lt3A_281 : i32
      %ne3A_283 = arith.xori %lt3A_280, %lt3A_282 : i1
      %and3A_284 = arith.andi %ne3A_283, %ne3A_278 : i1
      %add3A_285 = arith.addi %rem3A_276, %select_n3A_275 : i32
      %select_n3A_286 = arith.select %and3A_284, %add3A_285, %rem3A_276 : i32
      %jit3A_287 = arith.constant 3 : i32
      %eq3A_288 = arith.constant 0 : i32
      %eq3A_289 = arith.cmpi eq, %jit3A_287, %eq3A_288 : i32
      %jit3A_290 = arith.constant 1 : i32
      %select_n3A_291 = arith.select %eq3A_289, %jit3A_290, %jit3A_287 : i32
      %rem3A_292 = arith.remsi %add3A_221, %select_n3A_291 : i32
      %ne3A_293 = arith.constant 0 : i32
      %ne3A_294 = arith.cmpi ne, %rem3A_292, %ne3A_293 : i32
      %lt3A_295 = arith.constant 0 : i32
      %lt3A_296 = arith.cmpi slt, %rem3A_292, %lt3A_295 : i32
      %lt3A_297 = arith.constant 0 : i32
      %lt3A_298 = arith.cmpi slt, %select_n3A_291, %lt3A_297 : i32
      %ne3A_299 = arith.xori %lt3A_296, %lt3A_298 : i1
      %and3A_300 = arith.andi %ne3A_299, %ne3A_294 : i1
      %add3A_301 = arith.addi %rem3A_292, %select_n3A_291 : i32
      %select_n3A_302 = arith.select %and3A_300, %add3A_301, %rem3A_292 : i32
      %jit3A_303 = arith.constant 4 : i32
      %eq3A_304 = arith.constant 0 : i32
      %eq3A_305 = arith.cmpi eq, %jit3A_303, %eq3A_304 : i32
      %jit3A_306 = arith.constant 1 : i32
      %select_n3A_307 = arith.select %eq3A_305, %jit3A_306, %jit3A_303 : i32
      %rem3A_308 = arith.remsi %add3A_221, %select_n3A_307 : i32
      %ne3A_309 = arith.constant 0 : i32
      %ne3A_310 = arith.cmpi ne, %rem3A_308, %ne3A_309 : i32
      %lt3A_311 = arith.constant 0 : i32
      %lt3A_312 = arith.cmpi slt, %rem3A_308, %lt3A_311 : i32
      %lt3A_313 = arith.constant 0 : i32
      %lt3A_314 = arith.cmpi slt, %select_n3A_307, %lt3A_313 : i32
      %ne3A_315 = arith.xori %lt3A_312, %lt3A_314 : i1
      %and3A_316 = arith.andi %ne3A_315, %ne3A_310 : i1
      %add3A_317 = arith.addi %rem3A_308, %select_n3A_307 : i32
      %select_n3A_318 = arith.select %and3A_316, %add3A_317, %rem3A_308 : i32
      %dma_start3A_319 = arith.constant 0 : i32
      %dma_start3A_320 = arith.constant 0 : i32
      %dma_start3A_321 = arith.constant 0 : i32
      %dma_start3A_322 = tpu.memref_slice %arg6[%select_n3A_302, %dma_start3A_320, %dma_start3A_321] : memref<3x128x128xf32, #tpu.memory_space<vmem>> -> memref<1x128x128xf32, #tpu.memory_space<vmem>>
      %dma_start3A_323 = tpu.memref_squeeze %dma_start3A_322 : memref<1x128x128xf32, #tpu.memory_space<vmem>> -> memref<128x128xf32, #tpu.memory_space<vmem>>
      %dma_start3A_324 = arith.constant 0 : i32
      %dma_start3A_325 = tpu.memref_slice %arg5[%select_n3A_286, %dma_start3A_319, %dma_start3A_324] : memref<4x1x128xi32, #tpu.memory_space<vmem>> -> memref<1x1x128xi32, #tpu.memory_space<vmem>>
      %dma_start3A_326 = tpu.memref_squeeze %dma_start3A_325 : memref<1x1x128xi32, #tpu.memory_space<vmem>> -> memref<128xi32, #tpu.memory_space<vmem>>
      %dma_start3A_327 = arith.constant 0 : i32
      %dma_start3A_328 = arith.constant 0 : i32
      %dma_start3A_329 = tpu.memref_slice %arg2[%dma_start3A_327, %dma_start3A_328] : memref<10008x128xf32, #tpu.memory_space<hbm>> -> memref<10008x128xf32, #tpu.memory_space<hbm>>
      %dma_start3A_330 = tpu.memref_slice %arg8[%select_n3A_318] : memref<4x!tpu.dma_semaphore, #tpu.memory_space<semaphore_mem>> -> memref<1x!tpu.dma_semaphore, #tpu.memory_space<semaphore_mem>>
      %dma_start3A_331 = tpu.memref_squeeze %dma_start3A_330 : memref<1x!tpu.dma_semaphore, #tpu.memory_space<semaphore_mem>> -> memref<!tpu.dma_semaphore, #tpu.memory_space<semaphore_mem>>
      tpu.enqueue_indirect_dma source(%dma_start3A_329 : memref<10008x128xf32, #tpu.memory_space<hbm>>) target(%dma_start3A_323 : memref<128x128xf32, #tpu.memory_space<vmem>>) offsets(%dma_start3A_326 : memref<128xi32, #tpu.memory_space<vmem>>) semaphore(%dma_start3A_331 : memref<!tpu.dma_semaphore, #tpu.memory_space<semaphore_mem>>)
    }
    %scan3A_85 = arith.constant 79 : i32
    %dma_wait3A = arith.constant 1 : i32
    %dma_wait3A_86 = arith.constant 0 : i32
    %dma_wait3A_87 = arith.constant 2 : i32
    %dma_wait3A_88 = arith.constant 1 : i32
    %dma_wait3A_89 = arith.constant 0 : i32
    %dma_wait3A_90 = arith.constant 0 : i32
    %dma_wait3A_91 = tpu.memref_slice %arg6[%dma_wait3A_87, %dma_wait3A_89, %dma_wait3A_90] : memref<3x128x128xf32, #tpu.memory_space<vmem>> -> memref<1x128x128xf32, #tpu.memory_space<vmem>>
    %dma_wait3A_92 = tpu.memref_squeeze %dma_wait3A_91 : memref<1x128x128xf32, #tpu.memory_space<vmem>> -> memref<128x128xf32, #tpu.memory_space<vmem>>
    %dma_wait3A_93 = arith.constant 0 : i32
    %dma_wait3A_94 = tpu.memref_slice %arg5[%dma_wait3A, %dma_wait3A_86, %dma_wait3A_93] : memref<4x1x128xi32, #tpu.memory_space<vmem>> -> memref<1x1x128xi32, #tpu.memory_space<vmem>>
    %dma_wait3A_95 = tpu.memref_squeeze %dma_wait3A_94 : memref<1x1x128xi32, #tpu.memory_space<vmem>> -> memref<128xi32, #tpu.memory_space<vmem>>
    %dma_wait3A_96 = arith.constant 0 : i32
    %dma_wait3A_97 = arith.constant 0 : i32
    %dma_wait3A_98 = tpu.memref_slice %arg2[%dma_wait3A_96, %dma_wait3A_97] : memref<10008x128xf32, #tpu.memory_space<hbm>> -> memref<10008x128xf32, #tpu.memory_space<hbm>>
    %dma_wait3A_99 = tpu.memref_slice %arg8[%dma_wait3A_88] : memref<4x!tpu.dma_semaphore, #tpu.memory_space<semaphore_mem>> -> memref<1x!tpu.dma_semaphore, #tpu.memory_space<semaphore_mem>>
    %dma_wait3A_100 = tpu.memref_squeeze %dma_wait3A_99 : memref<1x!tpu.dma_semaphore, #tpu.memory_space<semaphore_mem>> -> memref<!tpu.dma_semaphore, #tpu.memory_space<semaphore_mem>>
    tpu.wait_indirect_dma semaphore(%dma_wait3A_100 : memref<!tpu.dma_semaphore, #tpu.memory_space<semaphore_mem>>) src(%dma_wait3A_98 : memref<10008x128xf32, #tpu.memory_space<hbm>>) dst(%dma_wait3A_92 : memref<128x128xf32, #tpu.memory_space<vmem>>)
    %add3A_101 = arith.constant 77 : i32
    %add3A_102 = arith.addi %mul3A_2, %add3A_101 : i32
    %mul3A_103 = arith.constant 128 : i32
    %mul3A_104 = arith.muli %add3A_102, %mul3A_103 : i32
    %dma_start3A_105 = arith.constant 2 : i32
    %dma_start3A_106 = arith.constant 2 : i32
    %dma_start3A_107 = arith.constant 0 : i32
    %dma_start3A_108 = arith.constant 0 : i32
    %dma_start3A_109 = tpu.memref_slice %arg6[%dma_start3A_105, %dma_start3A_107, %dma_start3A_108] : memref<3x128x128xf32, #tpu.memory_space<vmem>> -> memref<1x128x128xf32, #tpu.memory_space<vmem>>
    %dma_start3A_110 = tpu.memref_squeeze %dma_start3A_109 : memref<1x128x128xf32, #tpu.memory_space<vmem>> -> memref<128x128xf32, #tpu.memory_space<vmem>>
    %dma_start3A_111 = arith.constant 0 : i32
    %dma_start3A_112 = tpu.memref_slice %arg4[%mul3A_104, %dma_start3A_111] : memref<323584x128xf32, #tpu.memory_space<hbm>> -> memref<128x128xf32, #tpu.memory_space<hbm>>
    %dma_start3A_113 = tpu.memref_slice %arg9[%dma_start3A_106] : memref<3x!tpu.dma_semaphore, #tpu.memory_space<semaphore_mem>> -> memref<1x!tpu.dma_semaphore, #tpu.memory_space<semaphore_mem>>
    %dma_start3A_114 = tpu.memref_squeeze %dma_start3A_113 : memref<1x!tpu.dma_semaphore, #tpu.memory_space<semaphore_mem>> -> memref<!tpu.dma_semaphore, #tpu.memory_space<semaphore_mem>>
    %dma_start3A_115 = arith.constant 0 : i32
    %dma_start3A_116 = tpu.memref_slice %arg4[%mul3A_104, %dma_start3A_115] : memref<323584x128xf32, #tpu.memory_space<hbm>> -> memref<128x128xf32, #tpu.memory_space<hbm>>
    %dma_start3A_117 = arith.constant 0 : i32
    %dma_start3A_118 = arith.constant 0 : i32
    %dma_start3A_119 = tpu.memref_slice %arg6[%dma_start3A_105, %dma_start3A_117, %dma_start3A_118] : memref<3x128x128xf32, #tpu.memory_space<vmem>> -> memref<1x128x128xf32, #tpu.memory_space<vmem>>
    %dma_start3A_120 = tpu.memref_squeeze %dma_start3A_119 : memref<1x128x128xf32, #tpu.memory_space<vmem>> -> memref<128x128xf32, #tpu.memory_space<vmem>>
    tpu.enqueue_dma source(%dma_start3A_120 : memref<128x128xf32, #tpu.memory_space<vmem>>) target(%dma_start3A_116 : memref<128x128xf32, #tpu.memory_space<hbm>>) target_semaphore(%dma_start3A_114 : memref<!tpu.dma_semaphore, #tpu.memory_space<semaphore_mem>>)
    %dma_wait3A_121 = arith.constant 2 : i32
    %dma_wait3A_122 = arith.constant 0 : i32
    %dma_wait3A_123 = arith.constant 0 : i32
    %dma_wait3A_124 = arith.constant 2 : i32
    %dma_wait3A_125 = arith.constant 0 : i32
    %dma_wait3A_126 = arith.constant 0 : i32
    %dma_wait3A_127 = tpu.memref_slice %arg6[%dma_wait3A_123, %dma_wait3A_125, %dma_wait3A_126] : memref<3x128x128xf32, #tpu.memory_space<vmem>> -> memref<1x128x128xf32, #tpu.memory_space<vmem>>
    %dma_wait3A_128 = tpu.memref_squeeze %dma_wait3A_127 : memref<1x128x128xf32, #tpu.memory_space<vmem>> -> memref<128x128xf32, #tpu.memory_space<vmem>>
    %dma_wait3A_129 = arith.constant 0 : i32
    %dma_wait3A_130 = tpu.memref_slice %arg5[%dma_wait3A_121, %dma_wait3A_122, %dma_wait3A_129] : memref<4x1x128xi32, #tpu.memory_space<vmem>> -> memref<1x1x128xi32, #tpu.memory_space<vmem>>
    %dma_wait3A_131 = tpu.memref_squeeze %dma_wait3A_130 : memref<1x1x128xi32, #tpu.memory_space<vmem>> -> memref<128xi32, #tpu.memory_space<vmem>>
    %dma_wait3A_132 = arith.constant 0 : i32
    %dma_wait3A_133 = arith.constant 0 : i32
    %dma_wait3A_134 = tpu.memref_slice %arg2[%dma_wait3A_132, %dma_wait3A_133] : memref<10008x128xf32, #tpu.memory_space<hbm>> -> memref<10008x128xf32, #tpu.memory_space<hbm>>
    %dma_wait3A_135 = tpu.memref_slice %arg8[%dma_wait3A_124] : memref<4x!tpu.dma_semaphore, #tpu.memory_space<semaphore_mem>> -> memref<1x!tpu.dma_semaphore, #tpu.memory_space<semaphore_mem>>
    %dma_wait3A_136 = tpu.memref_squeeze %dma_wait3A_135 : memref<1x!tpu.dma_semaphore, #tpu.memory_space<semaphore_mem>> -> memref<!tpu.dma_semaphore, #tpu.memory_space<semaphore_mem>>
    tpu.wait_indirect_dma semaphore(%dma_wait3A_136 : memref<!tpu.dma_semaphore, #tpu.memory_space<semaphore_mem>>) src(%dma_wait3A_134 : memref<10008x128xf32, #tpu.memory_space<hbm>>) dst(%dma_wait3A_128 : memref<128x128xf32, #tpu.memory_space<vmem>>)
    %add3A_137 = arith.constant 78 : i32
    %add3A_138 = arith.addi %mul3A_2, %add3A_137 : i32
    %mul3A_139 = arith.constant 128 : i32
    %mul3A_140 = arith.muli %add3A_138, %mul3A_139 : i32
    %dma_start3A_141 = arith.constant 0 : i32
    %dma_start3A_142 = arith.constant 0 : i32
    %dma_start3A_143 = arith.constant 0 : i32
    %dma_start3A_144 = arith.constant 0 : i32
    %dma_start3A_145 = tpu.memref_slice %arg6[%dma_start3A_141, %dma_start3A_143, %dma_start3A_144] : memref<3x128x128xf32, #tpu.memory_space<vmem>> -> memref<1x128x128xf32, #tpu.memory_space<vmem>>
    %dma_start3A_146 = tpu.memref_squeeze %dma_start3A_145 : memref<1x128x128xf32, #tpu.memory_space<vmem>> -> memref<128x128xf32, #tpu.memory_space<vmem>>
    %dma_start3A_147 = arith.constant 0 : i32
    %dma_start3A_148 = tpu.memref_slice %arg4[%mul3A_140, %dma_start3A_147] : memref<323584x128xf32, #tpu.memory_space<hbm>> -> memref<128x128xf32, #tpu.memory_space<hbm>>
    %dma_start3A_149 = tpu.memref_slice %arg9[%dma_start3A_142] : memref<3x!tpu.dma_semaphore, #tpu.memory_space<semaphore_mem>> -> memref<1x!tpu.dma_semaphore, #tpu.memory_space<semaphore_mem>>
    %dma_start3A_150 = tpu.memref_squeeze %dma_start3A_149 : memref<1x!tpu.dma_semaphore, #tpu.memory_space<semaphore_mem>> -> memref<!tpu.dma_semaphore, #tpu.memory_space<semaphore_mem>>
    %dma_start3A_151 = arith.constant 0 : i32
    %dma_start3A_152 = tpu.memref_slice %arg4[%mul3A_140, %dma_start3A_151] : memref<323584x128xf32, #tpu.memory_space<hbm>> -> memref<128x128xf32, #tpu.memory_space<hbm>>
    %dma_start3A_153 = arith.constant 0 : i32
    %dma_start3A_154 = arith.constant 0 : i32
    %dma_start3A_155 = tpu.memref_slice %arg6[%dma_start3A_141, %dma_start3A_153, %dma_start3A_154] : memref<3x128x128xf32, #tpu.memory_space<vmem>> -> memref<1x128x128xf32, #tpu.memory_space<vmem>>
    %dma_start3A_156 = tpu.memref_squeeze %dma_start3A_155 : memref<1x128x128xf32, #tpu.memory_space<vmem>> -> memref<128x128xf32, #tpu.memory_space<vmem>>
    tpu.enqueue_dma source(%dma_start3A_156 : memref<128x128xf32, #tpu.memory_space<vmem>>) target(%dma_start3A_152 : memref<128x128xf32, #tpu.memory_space<hbm>>) target_semaphore(%dma_start3A_150 : memref<!tpu.dma_semaphore, #tpu.memory_space<semaphore_mem>>)
    %add3A_157 = arith.constant 76 : i32
    %add3A_158 = arith.addi %mul3A_2, %add3A_157 : i32
    %mul3A_159 = arith.constant 128 : i32
    %mul3A_160 = arith.muli %add3A_158, %mul3A_159 : i32
    %dma_wait3A_161 = arith.constant 1 : i32
    %dma_wait3A_162 = arith.constant 1 : i32
    %dma_wait3A_163 = arith.constant 0 : i32
    %dma_wait3A_164 = arith.constant 0 : i32
    %dma_wait3A_165 = tpu.memref_slice %arg6[%dma_wait3A_161, %dma_wait3A_163, %dma_wait3A_164] : memref<3x128x128xf32, #tpu.memory_space<vmem>> -> memref<1x128x128xf32, #tpu.memory_space<vmem>>
    %dma_wait3A_166 = tpu.memref_squeeze %dma_wait3A_165 : memref<1x128x128xf32, #tpu.memory_space<vmem>> -> memref<128x128xf32, #tpu.memory_space<vmem>>
    %dma_wait3A_167 = arith.constant 0 : i32
    %dma_wait3A_168 = tpu.memref_slice %arg4[%mul3A_160, %dma_wait3A_167] : memref<323584x128xf32, #tpu.memory_space<hbm>> -> memref<128x128xf32, #tpu.memory_space<hbm>>
    %dma_wait3A_169 = tpu.memref_slice %arg9[%dma_wait3A_162] : memref<3x!tpu.dma_semaphore, #tpu.memory_space<semaphore_mem>> -> memref<1x!tpu.dma_semaphore, #tpu.memory_space<semaphore_mem>>
    %dma_wait3A_170 = tpu.memref_squeeze %dma_wait3A_169 : memref<1x!tpu.dma_semaphore, #tpu.memory_space<semaphore_mem>> -> memref<!tpu.dma_semaphore, #tpu.memory_space<semaphore_mem>>
    %dma_wait3A_171 = arith.constant 0 : i32
    %dma_wait3A_172 = tpu.memref_slice %arg4[%mul3A_160, %dma_wait3A_171] : memref<323584x128xf32, #tpu.memory_space<hbm>> -> memref<128x128xf32, #tpu.memory_space<hbm>>
    %dma_wait3A_173 = arith.constant 0 : i32
    %dma_wait3A_174 = arith.constant 0 : i32
    %dma_wait3A_175 = tpu.memref_slice %arg6[%dma_wait3A_161, %dma_wait3A_173, %dma_wait3A_174] : memref<3x128x128xf32, #tpu.memory_space<vmem>> -> memref<1x128x128xf32, #tpu.memory_space<vmem>>
    %dma_wait3A_176 = tpu.memref_squeeze %dma_wait3A_175 : memref<1x128x128xf32, #tpu.memory_space<vmem>> -> memref<128x128xf32, #tpu.memory_space<vmem>>
    tpu.wait_dma2 semaphore(%dma_wait3A_170 : memref<!tpu.dma_semaphore, #tpu.memory_space<semaphore_mem>>) src(%dma_wait3A_176 : memref<128x128xf32, #tpu.memory_space<vmem>>) dst(%dma_wait3A_172 : memref<128x128xf32, #tpu.memory_space<hbm>>)
    %add3A_177 = arith.constant 77 : i32
    %add3A_178 = arith.addi %mul3A_2, %add3A_177 : i32
    %mul3A_179 = arith.constant 128 : i32
    %mul3A_180 = arith.muli %add3A_178, %mul3A_179 : i32
    %dma_wait3A_181 = arith.constant 2 : i32
    %dma_wait3A_182 = arith.constant 2 : i32
    %dma_wait3A_183 = arith.constant 0 : i32
    %dma_wait3A_184 = arith.constant 0 : i32
    %dma_wait3A_185 = tpu.memref_slice %arg6[%dma_wait3A_181, %dma_wait3A_183, %dma_wait3A_184] : memref<3x128x128xf32, #tpu.memory_space<vmem>> -> memref<1x128x128xf32, #tpu.memory_space<vmem>>
    %dma_wait3A_186 = tpu.memref_squeeze %dma_wait3A_185 : memref<1x128x128xf32, #tpu.memory_space<vmem>> -> memref<128x128xf32, #tpu.memory_space<vmem>>
    %dma_wait3A_187 = arith.constant 0 : i32
    %dma_wait3A_188 = tpu.memref_slice %arg4[%mul3A_180, %dma_wait3A_187] : memref<323584x128xf32, #tpu.memory_space<hbm>> -> memref<128x128xf32, #tpu.memory_space<hbm>>
    %dma_wait3A_189 = tpu.memref_slice %arg9[%dma_wait3A_182] : memref<3x!tpu.dma_semaphore, #tpu.memory_space<semaphore_mem>> -> memref<1x!tpu.dma_semaphore, #tpu.memory_space<semaphore_mem>>
    %dma_wait3A_190 = tpu.memref_squeeze %dma_wait3A_189 : memref<1x!tpu.dma_semaphore, #tpu.memory_space<semaphore_mem>> -> memref<!tpu.dma_semaphore, #tpu.memory_space<semaphore_mem>>
    %dma_wait3A_191 = arith.constant 0 : i32
    %dma_wait3A_192 = tpu.memref_slice %arg4[%mul3A_180, %dma_wait3A_191] : memref<323584x128xf32, #tpu.memory_space<hbm>> -> memref<128x128xf32, #tpu.memory_space<hbm>>
    %dma_wait3A_193 = arith.constant 0 : i32
    %dma_wait3A_194 = arith.constant 0 : i32
    %dma_wait3A_195 = tpu.memref_slice %arg6[%dma_wait3A_181, %dma_wait3A_193, %dma_wait3A_194] : memref<3x128x128xf32, #tpu.memory_space<vmem>> -> memref<1x128x128xf32, #tpu.memory_space<vmem>>
    %dma_wait3A_196 = tpu.memref_squeeze %dma_wait3A_195 : memref<1x128x128xf32, #tpu.memory_space<vmem>> -> memref<128x128xf32, #tpu.memory_space<vmem>>
    tpu.wait_dma2 semaphore(%dma_wait3A_190 : memref<!tpu.dma_semaphore, #tpu.memory_space<semaphore_mem>>) src(%dma_wait3A_196 : memref<128x128xf32, #tpu.memory_space<vmem>>) dst(%dma_wait3A_192 : memref<128x128xf32, #tpu.memory_space<hbm>>)
    %add3A_197 = arith.constant 78 : i32
    %add3A_198 = arith.addi %mul3A_2, %add3A_197 : i32
    %mul3A_199 = arith.constant 128 : i32
    %mul3A_200 = arith.muli %add3A_198, %mul3A_199 : i32
    %dma_wait3A_201 = arith.constant 0 : i32
    %dma_wait3A_202 = arith.constant 0 : i32
    %dma_wait3A_203 = arith.constant 0 : i32
    %dma_wait3A_204 = arith.constant 0 : i32
    %dma_wait3A_205 = tpu.memref_slice %arg6[%dma_wait3A_201, %dma_wait3A_203, %dma_wait3A_204] : memref<3x128x128xf32, #tpu.memory_space<vmem>> -> memref<1x128x128xf32, #tpu.memory_space<vmem>>
    %dma_wait3A_206 = tpu.memref_squeeze %dma_wait3A_205 : memref<1x128x128xf32, #tpu.memory_space<vmem>> -> memref<128x128xf32, #tpu.memory_space<vmem>>
    %dma_wait3A_207 = arith.constant 0 : i32
    %dma_wait3A_208 = tpu.memref_slice %arg4[%mul3A_200, %dma_wait3A_207] : memref<323584x128xf32, #tpu.memory_space<hbm>> -> memref<128x128xf32, #tpu.memory_space<hbm>>
    %dma_wait3A_209 = tpu.memref_slice %arg9[%dma_wait3A_202] : memref<3x!tpu.dma_semaphore, #tpu.memory_space<semaphore_mem>> -> memref<1x!tpu.dma_semaphore, #tpu.memory_space<semaphore_mem>>
    %dma_wait3A_210 = tpu.memref_squeeze %dma_wait3A_209 : memref<1x!tpu.dma_semaphore, #tpu.memory_space<semaphore_mem>> -> memref<!tpu.dma_semaphore, #tpu.memory_space<semaphore_mem>>
    %dma_wait3A_211 = arith.constant 0 : i32
    %dma_wait3A_212 = tpu.memref_slice %arg4[%mul3A_200, %dma_wait3A_211] : memref<323584x128xf32, #tpu.memory_space<hbm>> -> memref<128x128xf32, #tpu.memory_space<hbm>>
    %dma_wait3A_213 = arith.constant 0 : i32
    %dma_wait3A_214 = arith.constant 0 : i32
    %dma_wait3A_215 = tpu.memref_slice %arg6[%dma_wait3A_201, %dma_wait3A_213, %dma_wait3A_214] : memref<3x128x128xf32, #tpu.memory_space<vmem>> -> memref<1x128x128xf32, #tpu.memory_space<vmem>>
    %dma_wait3A_216 = tpu.memref_squeeze %dma_wait3A_215 : memref<1x128x128xf32, #tpu.memory_space<vmem>> -> memref<128x128xf32, #tpu.memory_space<vmem>>
    tpu.wait_dma2 semaphore(%dma_wait3A_210 : memref<!tpu.dma_semaphore, #tpu.memory_space<semaphore_mem>>) src(%dma_wait3A_216 : memref<128x128xf32, #tpu.memory_space<vmem>>) dst(%dma_wait3A_212 : memref<128x128xf32, #tpu.memory_space<hbm>>)
    return
  }
}

module attributes {stable_mosaic.version = 14 : i64} {
  func.func @_in2f_body(%arg0: memref<10008x128xf32, #tpu.memory_space<vmem>>, %arg1: memref<128x128xf32, #tpu.memory_space<vmem>>, %arg2: memref<10008x128xf32, #tpu.memory_space<vmem>>) attributes {dimension_semantics = [], scalar_prefetch = 0 : i64, scratch_operands = 0 : i64, tpu.core_type = #tpu.core_type<tc>} {
    %get3A = arith.constant 0 : index
    %get3A_0 = arith.constant 0 : index
    %get3A_1 = vector.load %arg0[%get3A, %get3A_0] : memref<10008x128xf32, #tpu.memory_space<vmem>>, vector<10008x128xf32>
    %convert_element_type3A = arith.truncf %get3A_1 : vector<10008x128xf32> to vector<10008x128xbf16>
    %get3A_2 = arith.constant 0 : index
    %get3A_3 = arith.constant 0 : index
    %get3A_4 = vector.load %arg1[%get3A_2, %get3A_3] : memref<128x128xf32, #tpu.memory_space<vmem>>, vector<128x128xf32>
    %convert_element_type3A_5 = arith.truncf %get3A_4 : vector<128x128xf32> to vector<128x128xbf16>
    %dot_general3A = arith.constant dense<0.000000e+00> : vector<10008x128xf32>
    %dot_general3A_6 = tpu.matmul %convert_element_type3A, %convert_element_type3A_5, %dot_general3A {dimension_numbers = #tpu.dot_dimension_numbers<[1], [0], [0], [1], [0, 0, 1, 1], [], []>, transpose_lhs_hint = false} : vector<10008x128xbf16>, vector<128x128xbf16>, vector<10008x128xf32> -> vector<10008x128xf32>
    %swap3A = arith.constant 0 : index
    %swap3A_7 = arith.constant 0 : index
    %swap3A_8 = vector.load %arg2[%swap3A, %swap3A_7] : memref<10008x128xf32, #tpu.memory_space<vmem>>, vector<10008x128xf32>
    tpu.vector_store %arg2[%swap3A, %swap3A_7], %dot_general3A_6 {strides = array<i32>} : memref<10008x128xf32, #tpu.memory_space<vmem>>, vector<10008x128xf32>,
    return
  }
}

module attributes {stable_mosaic.version = 14 : i64} {
  func.func @_fused_body(%arg0: i32, %arg1: memref<400x32x50xbf16, #tpu.memory_space<vmem>>, %arg2: memref<12800x128xf32, #tpu.memory_space<vmem>>, %arg3: memref<50x128xbf16, #tpu.memory_space<vmem>>, %arg4: memref<1x128xf32, #tpu.memory_space<vmem>>, %arg5: memref<128x128xbf16, #tpu.memory_space<vmem>>, %arg6: memref<1x128xf32, #tpu.memory_space<vmem>>, %arg7: memref<128x128xbf16, #tpu.memory_space<vmem>>, %arg8: memref<1x128xf32, #tpu.memory_space<vmem>>, %arg9: memref<128x128xbf16, #tpu.memory_space<vmem>>, %arg10: memref<1x128xf32, #tpu.memory_space<vmem>>, %arg11: memref<400x128xf32, #tpu.memory_space<vmem>>) attributes {dimension_semantics = [#tpu.dimension_semantics<parallel>], iteration_bounds = array<i64: 25>, scalar_prefetch = 0 : i64, scratch_operands = 0 : i64, tpu.core_type = #tpu.core_type<tc>, window_params = [{transform_indices = @transform_0, window_bounds = array<i64: 400, 32, 50>}, {transform_indices = @transform_1, window_bounds = array<i64: 12800, 128>}, {pipeline_mode = #tpu.pipeline_mode<synchronous>, transform_indices = @transform_2, window_bounds = array<i64: 50, 128>}, {pipeline_mode = #tpu.pipeline_mode<synchronous>, transform_indices = @transform_3, window_bounds = array<i64: 1, 128>}, {pipeline_mode = #tpu.pipeline_mode<synchronous>, transform_indices = @transform_4, window_bounds = array<i64: 128, 128>}, {pipeline_mode = #tpu.pipeline_mode<synchronous>, transform_indices = @transform_5, window_bounds = array<i64: 1, 128>}, {pipeline_mode = #tpu.pipeline_mode<synchronous>, transform_indices = @transform_6, window_bounds = array<i64: 128, 128>}, {pipeline_mode = #tpu.pipeline_mode<synchronous>, transform_indices = @transform_7, window_bounds = array<i64: 1, 128>}, {pipeline_mode = #tpu.pipeline_mode<synchronous>, transform_indices = @transform_8, window_bounds = array<i64: 128, 128>}, {pipeline_mode = #tpu.pipeline_mode<synchronous>, transform_indices = @transform_9, window_bounds = array<i64: 1, 128>}, {transform_indices = @transform_10, window_bounds = array<i64: 400, 128>}]} {
    %get3A = arith.constant 0 : index
    %get3A_0 = arith.constant 0 : index
    %get3A_1 = arith.constant 0 : index
    %get3A_2 = vector.load %arg1[%get3A, %get3A_0, %get3A_1] : memref<400x32x50xbf16, #tpu.memory_space<vmem>>, vector<400x32x50xbf16>
    %reshape3A = vector.shape_cast %get3A_2 : vector<400x32x50xbf16> to vector<12800x50xbf16>
    %get3A_3 = arith.constant 0 : index
    %get3A_4 = arith.constant 0 : index
    %get3A_5 = vector.load %arg3[%get3A_3, %get3A_4] : memref<50x128xbf16, #tpu.memory_space<vmem>>, vector<50x128xbf16>
    %dot_general3A = arith.constant dense<0.000000e+00> : vector<12800x128xf32>
    %dot_general3A_6 = tpu.matmul %reshape3A, %get3A_5, %dot_general3A {dimension_numbers = #tpu.dot_dimension_numbers<[1], [0], [0], [1], [0, 0, 1, 1], [], []>, transpose_lhs_hint = false} : vector<12800x50xbf16>, vector<50x128xbf16>, vector<12800x128xf32> -> vector<12800x128xf32>
    %get3A_7 = arith.constant 0 : index
    %get3A_8 = arith.constant 0 : index
    %get3A_9 = vector.load %arg4[%get3A_7, %get3A_8] : memref<1x128xf32, #tpu.memory_space<vmem>>, vector<1x128xf32>
    %add3A = vector.broadcast %get3A_9 : vector<1x128xf32> to vector<12800x128xf32>
    %add3A_10 = arith.addf %dot_general3A_6, %add3A : vector<12800x128xf32>
    %convert_element_type3A = arith.truncf %add3A_10 : vector<12800x128xf32> to vector<12800x128xbf16>
    %max3A = arith.constant 0.000000e+00 : bf16
    %max3A_11 = vector.broadcast %max3A : bf16 to vector<12800x128xbf16>
    %max3A_12 = arith.maximumf %convert_element_type3A, %max3A_11 : vector<12800x128xbf16>
    %abs3A = math.absf %convert_element_type3A : vector<12800x128xbf16>
    %neg3A = arith.constant 0.000000e+00 : bf16
    %neg3A_13 = vector.broadcast %neg3A : bf16 to vector<12800x128xbf16>
    %neg3A_14 = arith.subf %neg3A_13, %abs3A : vector<12800x128xbf16>
    %exp3A = math.exp %neg3A_14 : vector<12800x128xbf16>
    %log1p3A = math.log1p %exp3A : vector<12800x128xbf16>
    %add3A_15 = arith.addf %max3A_12, %log1p3A : vector<12800x128xbf16>
    %sub3A = arith.constant 6.914060e-01 : bf16
    %sub3A_16 = vector.broadcast %sub3A : bf16 to vector<12800x128xbf16>
    %sub3A_17 = arith.subf %add3A_15, %sub3A_16 : vector<12800x128xbf16>
    %get3A_18 = arith.constant 0 : index
    %get3A_19 = arith.constant 0 : index
    %get3A_20 = vector.load %arg5[%get3A_18, %get3A_19] : memref<128x128xbf16, #tpu.memory_space<vmem>>, vector<128x128xbf16>
    %dot_general3A_21 = arith.constant dense<0.000000e+00> : vector<12800x128xf32>
    %dot_general3A_22 = tpu.matmul %sub3A_17, %get3A_20, %dot_general3A_21 {dimension_numbers = #tpu.dot_dimension_numbers<[1], [0], [0], [1], [0, 0, 1, 1], [], []>, transpose_lhs_hint = false} : vector<12800x128xbf16>, vector<128x128xbf16>, vector<12800x128xf32> -> vector<12800x128xf32>
    %get3A_23 = arith.constant 0 : index
    %get3A_24 = arith.constant 0 : index
    %get3A_25 = vector.load %arg6[%get3A_23, %get3A_24] : memref<1x128xf32, #tpu.memory_space<vmem>>, vector<1x128xf32>
    %add3A_26 = vector.broadcast %get3A_25 : vector<1x128xf32> to vector<12800x128xf32>
    %add3A_27 = arith.addf %dot_general3A_22, %add3A_26 : vector<12800x128xf32>
    %get3A_28 = arith.constant 0 : index
    %get3A_29 = arith.constant 0 : index
    %get3A_30 = vector.load %arg2[%get3A_28, %get3A_29] : memref<12800x128xf32, #tpu.memory_space<vmem>>, vector<12800x128xf32>
    %mul3A = arith.mulf %add3A_27, %get3A_30 : vector<12800x128xf32>
    %reshape3A_31 = vector.shape_cast %mul3A : vector<12800x128xf32> to vector<400x32x128xf32>
    %reduce_sum3A = arith.constant dense<0.000000e+00> : vector<400x128xf32>
    %reduce_sum3A_32 = vector.multi_reduction <add>, %reshape3A_31, %reduce_sum3A [1] : vector<400x32x128xf32> to vector<400x128xf32>
    %convert_element_type3A_33 = arith.truncf %reduce_sum3A_32 : vector<400x128xf32> to vector<400x128xbf16>
    %get3A_34 = arith.constant 0 : index
    %get3A_35 = arith.constant 0 : index
    %get3A_36 = vector.load %arg7[%get3A_34, %get3A_35] : memref<128x128xbf16, #tpu.memory_space<vmem>>, vector<128x128xbf16>
    %dot_general3A_37 = arith.constant dense<0.000000e+00> : vector<400x128xf32>
    %dot_general3A_38 = tpu.matmul %convert_element_type3A_33, %get3A_36, %dot_general3A_37 {dimension_numbers = #tpu.dot_dimension_numbers<[1], [0], [0], [1], [0, 0, 1, 1], [], []>, transpose_lhs_hint = false} : vector<400x128xbf16>, vector<128x128xbf16>, vector<400x128xf32> -> vector<400x128xf32>
    %get3A_39 = arith.constant 0 : index
    %get3A_40 = arith.constant 0 : index
    %get3A_41 = vector.load %arg8[%get3A_39, %get3A_40] : memref<1x128xf32, #tpu.memory_space<vmem>>, vector<1x128xf32>
    %add3A_42 = vector.broadcast %get3A_41 : vector<1x128xf32> to vector<400x128xf32>
    %add3A_43 = arith.addf %dot_general3A_38, %add3A_42 : vector<400x128xf32>
    %max3A_44 = arith.constant 0.000000e+00 : f32
    %max3A_45 = vector.broadcast %max3A_44 : f32 to vector<400x128xf32>
    %max3A_46 = arith.maximumf %add3A_43, %max3A_45 : vector<400x128xf32>
    %abs3A_47 = math.absf %add3A_43 : vector<400x128xf32>
    %neg3A_48 = arith.constant 0.000000e+00 : f32
    %neg3A_49 = vector.broadcast %neg3A_48 : f32 to vector<400x128xf32>
    %neg3A_50 = arith.subf %neg3A_49, %abs3A_47 : vector<400x128xf32>
    %exp3A_51 = math.exp %neg3A_50 : vector<400x128xf32>
    %log1p3A_52 = math.log1p %exp3A_51 : vector<400x128xf32>
    %add3A_53 = arith.addf %max3A_46, %log1p3A_52 : vector<400x128xf32>
    %sub3A_54 = arith.constant 0.693147182 : f32
    %sub3A_55 = vector.broadcast %sub3A_54 : f32 to vector<400x128xf32>
    %sub3A_56 = arith.subf %add3A_53, %sub3A_55 : vector<400x128xf32>
    %convert_element_type3A_57 = arith.truncf %sub3A_56 : vector<400x128xf32> to vector<400x128xbf16>
    %get3A_58 = arith.constant 0 : index
    %get3A_59 = arith.constant 0 : index
    %get3A_60 = vector.load %arg9[%get3A_58, %get3A_59] : memref<128x128xbf16, #tpu.memory_space<vmem>>, vector<128x128xbf16>
    %dot_general3A_61 = arith.constant dense<0.000000e+00> : vector<400x128xf32>
    %dot_general3A_62 = tpu.matmul %convert_element_type3A_57, %get3A_60, %dot_general3A_61 {dimension_numbers = #tpu.dot_dimension_numbers<[1], [0], [0], [1], [0, 0, 1, 1], [], []>, transpose_lhs_hint = false} : vector<400x128xbf16>, vector<128x128xbf16>, vector<400x128xf32> -> vector<400x128xf32>
    %get3A_63 = arith.constant 0 : index
    %get3A_64 = arith.constant 0 : index
    %get3A_65 = vector.load %arg10[%get3A_63, %get3A_64] : memref<1x128xf32, #tpu.memory_space<vmem>>, vector<1x128xf32>
    %add3A_66 = vector.broadcast %get3A_65 : vector<1x128xf32> to vector<400x128xf32>
    %add3A_67 = arith.addf %dot_general3A_62, %add3A_66 : vector<400x128xf32>
    %swap3A = arith.constant 0 : index
    %swap3A_68 = arith.constant 0 : index
    %swap3A_69 = vector.load %arg11[%swap3A, %swap3A_68] : memref<400x128xf32, #tpu.memory_space<vmem>>, vector<400x128xf32>
    tpu.vector_store %arg11[%swap3A, %swap3A_68], %add3A_67 {strides = array<i32>} : memref<400x128xf32, #tpu.memory_space<vmem>>, vector<400x128xf32>,
    return
  }
  func.func @transform_0(%arg0: i32) -> (i32, i32, i32) {
    %c0_i32 = arith.constant 0 : i32
    %c0_i32_0 = arith.constant 0 : i32
    %c0_i32_1 = arith.constant 0 : i32
    return %arg0, %c0_i32, %c0_i32_0 : i32, i32, i32
  }
  func.func @transform_1(%arg0: i32) -> (i32, i32) {
    %c0_i32 = arith.constant 0 : i32
    %c0_i32_0 = arith.constant 0 : i32
    return %arg0, %c0_i32 : i32, i32
  }
  func.func @transform_2(%arg0: i32) -> (i32, i32) {
    %c0_i32 = arith.constant 0 : i32
    %c0_i32_0 = arith.constant 0 : i32
    %c0_i32_1 = arith.constant 0 : i32
    return %c0_i32, %c0_i32_0 : i32, i32
  }
  func.func @transform_3(%arg0: i32) -> (i32, i32) {
    %c0_i32 = arith.constant 0 : i32
    %c0_i32_0 = arith.constant 0 : i32
    %c0_i32_1 = arith.constant 0 : i32
    return %c0_i32, %c0_i32_0 : i32, i32
  }
  func.func @transform_4(%arg0: i32) -> (i32, i32) {
    %c0_i32 = arith.constant 0 : i32
    %c0_i32_0 = arith.constant 0 : i32
    %c0_i32_1 = arith.constant 0 : i32
    return %c0_i32, %c0_i32_0 : i32, i32
  }
  func.func @transform_5(%arg0: i32) -> (i32, i32) {
    %c0_i32 = arith.constant 0 : i32
    %c0_i32_0 = arith.constant 0 : i32
    %c0_i32_1 = arith.constant 0 : i32
    return %c0_i32, %c0_i32_0 : i32, i32
  }
  func.func @transform_6(%arg0: i32) -> (i32, i32) {
    %c0_i32 = arith.constant 0 : i32
    %c0_i32_0 = arith.constant 0 : i32
    %c0_i32_1 = arith.constant 0 : i32
    return %c0_i32, %c0_i32_0 : i32, i32
  }
  func.func @transform_7(%arg0: i32) -> (i32, i32) {
    %c0_i32 = arith.constant 0 : i32
    %c0_i32_0 = arith.constant 0 : i32
    %c0_i32_1 = arith.constant 0 : i32
    return %c0_i32, %c0_i32_0 : i32, i32
  }
  func.func @transform_8(%arg0: i32) -> (i32, i32) {
    %c0_i32 = arith.constant 0 : i32
    %c0_i32_0 = arith.constant 0 : i32
    %c0_i32_1 = arith.constant 0 : i32
    return %c0_i32, %c0_i32_0 : i32, i32
  }
  func.func @transform_9(%arg0: i32) -> (i32, i32) {
    %c0_i32 = arith.constant 0 : i32
    %c0_i32_0 = arith.constant 0 : i32
    %c0_i32_1 = arith.constant 0 : i32
    return %c0_i32, %c0_i32_0 : i32, i32
  }
  func.func @transform_10(%arg0: i32) -> (i32, i32) {
    %c0_i32 = arith.constant 0 : i32
    %c0_i32_0 = arith.constant 0 : i32
    return %arg0, %c0_i32 : i32, i32
  }
}

</mosaic_0001>

<sc_bundles>
// kernel: kernel.5.cloned.1.call-start
scs
__scs_entry_jumppad:
0x0: {  	(pc) =	sbr.rel $0x88, $3  }
0x1: {  	(tag) =	ssettag $0x0;
	lr =	simm.s32 $0x1  }
0x2: {  	[smem:$0x3F93] =	sst lr;
	_ =	strace $0xD0000000  }
0x3: {  	_ = 	snop  }
0x4: {  	_ = 	snop  }
0x5: {  	_ = 	snop  }
0x6: {  	_ = 	snop  }
0x7: {  	_ = 	snop  }
__scs_overlays_trampoline_lowered:
0x8: {  	[smem:$0x3FA2] =	sst s0  }
0x9: {  	[smem:$0x3FA3] =	sst s1  }
0xa: {  	[smem:$0x3FA4] =	sst s2  }
0xb: {  	[smem:$0x3FA5] =	sst s3  }
0xc: {  	[smem:$0x3FA6] =	sst s4  }
0xd: {  	[smem:$0x3FA7] =	sst s5  }
0xe: {  	[smem:$0x3FA8] =	sst s6  }
0xf: {  	[smem:$0x3FA9] =	sst s7  }
0x10: {  	[smem:$0x3FAA] =	sst s8  }
0x11: {  	[smem:$0x3FAB] =	sst s9;
	s0 =	simm.s32 @!p0 $0x0  }
0x12: {  	s1 =	sld [smem:$0x3F91];
	s0 =	simm.s32 @p0 $0x1  }
0x13: {  	[smem:$0x3FAC] =	sst s0;
	s0 =	simm.s32 @!p1 $0x0  }
0x14: {  	s2 =	sld [smem:$0x3F90];
	s0 =	simm.s32 @p1 $0x1  }
0x15: {  	[smem:$0x3FAD] =	sst s0;
	s0 =	simm.s32 @!p2 $0x0  }
0x16: {  	s3 =	sld [smem:$0x3FDB];
	s0 =	simm.s32 @p2 $0x1  }
0x17: {  	s4 =	simm.s32 $0x1BF5;
	[smem:$0x3FAF] =	sst s0  }
0x18: {  	s0 =	sld [smem:$0x3F92];
	_ =	swait.ge [sflag:s4], $0x0  }
0x19: {  	s7 =	sld [smem:$0x3F93]  }
0x1a: {  	s8 =	sadd.s32 $0xFFFFE003, lr  }
0x1b: {  	s9 =	sadd.s32 $0xFFFFFEF7, lr;
	s5 =	simm.s32 $0xFFFFFFFF;
	p2 =	slt.u32 s8, $0xFFFFF086  }
0x1c: {  	p1 =	slt.u32 s9, $0xF7A;
	s5 =	simm.s32 @!p2 $0x0  }
0x1d: {  	s5 =	simm.s32 @p1 $0x1;
	p0 =	seq.s32 s7, s2  }
0x1e: {  	s7 =	smul.u32 @!p0 $0xF7A, s2;
	p2 =	seq.s32 @!p0 s5, $0x0  }
0x1f: {  	s9 =	smul.u32 $0xF7A, s1;
	s8 =	simm.s32 @!p0 $0x1BF5;
	p2 =	por !p2, p0  }
0x20: {  	[sflag:s8] =	ssyncset.s32 @!p0 $0xFFFFF086;
	s6 =	sadd.s32 @!p0 s3, s7;
	s7 =	simm.s32 @!p0 $0x108  }
0x21: {  	s3 =	sadd.s32 s3, s9;
	s6 =	sadd.s32 @!p0 $0x88, s6;
	s7 =	simm.s32 @p2 $0x1082  }
0x22: {  	[simem:s7], [sflag:s8] =	dma.local @!p0 [hbm:s6], $0xF7A  }
0x23: {  	s9 =	sor.u32 $0xD0000000, s2;
	s6 =	simm.s32 $0x108;
	_ =	swait.ge @!p0 [sflag:s8], $0x0  }
0x24: {  	s3 =	sadd.s32 $0x88, s3;
	s6 =	simm.s32 @!p1 $0x1082;
	[sflag:s4] =	ssyncset.s32 $0xFFFFF086  }
0x25: {  	[simem:s6], [sflag:s4] =	dma.local [hbm:s3], $0xF7A  }
0x26: {  	[smem:$0x3F93] =	sst s1;
	(tag) =	ssettag s2;
	_ =	strace s9  }
0x27: {  	s1 =	sld [smem:$0x3FA3]  }
0x28: {  	s2 =	sld [smem:$0x3FA4]  }
0x29: {  	s4 =	sld [smem:$0x3FA6]  }
0x2a: {  	p0 =	seq.s32 s5, $0x0;
	s5 =	sld [smem:$0x3FA7]  }
0x2b: {  	s6 =	sld [smem:$0x3FA8]  }
0x2c: {  	s7 =	sld [smem:$0x3FA9]  }
0x2d: {  	s3 =	simm.s32 $0x108;
	s8 =	sld [smem:$0x3FAA]  }
0x2e: {  	s3 =	simm.s32 @!p0 $0x1082;
	s9 =	sld [smem:$0x3FAB]  }
0x2f: {  	lr =	sadd.s32 s0, s3;
	s0 =	sld [smem:$0x3FA2]  }
0x30: {  	s3 =	sld [smem:$0x3FA5]  }
0x31: {  	[smem:$0x3FAE] =	sst s10  }
0x32: {  	s10 =	sld [smem:$0x3FAC];
	_ =	sdelay $0x3  }
0x33: {  	p0 =	seq.s32 s10, $0x1;
	s10 =	sld [smem:$0x3FAE];
	_ =	sdelay $0x3  }
0x34: {  	[smem:$0x3FAE] =	sst s10  }
0x35: {  	s10 =	sld [smem:$0x3FAD];
	_ =	sdelay $0x3  }
0x36: {  	p1 =	seq.s32 s10, $0x1;
	s10 =	sld [smem:$0x3FAE];
	_ =	sdelay $0x3  }
0x37: {  	[smem:$0x3FAE] =	sst s10  }
0x38: {  	s10 =	sld [smem:$0x3FAF]  }
0x39: {  	_ = 	snop;
	(pc) =	sbr.ind lr, $3  }
0x3a: {  	_ = 	snop  }
0x3b: {  	_ = 	snop  }
0x3c: {  	p2 =	seq.s32 s10, $0x1;
	s10 =	sld [smem:$0x3FAE]  }
0x3d: {  	_ =	shalt  }
0x3e: {  	_ =	shalt  }
0x3f: {  	_ =	shalt  }
0x40: {  	_ =	shalt  }
0x41: {  	_ =	shalt  }
0x42: {  	_ =	shalt  }
0x43: {  	_ =	shalt  }
0x44: {  	_ =	shalt  }
0x45: {  	_ =	shalt  }
0x46: {  	_ =	shalt  }
0x47: {  	_ =	shalt  }
0x48: {  	_ =	shalt  }
0x49: {  	_ =	shalt  }
0x4a: {  	_ =	shalt  }
0x4b: {  	_ =	shalt  }
0x4c: {  	_ =	shalt  }
0x4d: {  	_ =	shalt  }
0x4e: {  	_ =	shalt  }
0x4f: {  	_ =	shalt  }
0x50: {  	_ =	shalt  }
0x51: {  	_ =	shalt  }
0x52: {  	_ =	shalt  }
0x53: {  	_ =	shalt  }
0x54: {  	_ =	shalt  }
0x55: {  	_ =	shalt  }
0x56: {  	_ =	shalt  }
0x57: {  	_ =	shalt  }
0x58: {  	_ =	shalt  }
0x59: {  	_ =	shalt  }
0x5a: {  	_ =	shalt  }
0x5b: {  	_ =	shalt  }
0x5c: {  	_ =	shalt  }
0x5d: {  	_ =	shalt  }
0x5e: {  	_ =	shalt  }
0x5f: {  	_ =	shalt  }
0x60: {  	_ =	shalt  }
0x61: {  	_ =	shalt  }
0x62: {  	_ =	shalt  }
0x63: {  	_ =	shalt  }
0x64: {  	_ =	shalt  }
0x65: {  	_ =	shalt  }
0x66: {  	_ =	shalt  }
0x67: {  	_ =	shalt  }
0x68: {  	_ =	shalt  }
0x69: {  	_ =	shalt  }
0x6a: {  	_ =	shalt  }
0x6b: {  	_ =	shalt  }
0x6c: {  	_ =	shalt  }
0x6d: {  	_ =	shalt  }
0x6e: {  	_ =	shalt  }
0x6f: {  	_ =	shalt  }
0x70: {  	_ =	shalt  }
0x71: {  	_ =	shalt  }
0x72: {  	_ =	shalt  }
0x73: {  	_ =	shalt  }
0x74: {  	_ =	shalt  }
0x75: {  	_ =	shalt  }
0x76: {  	_ =	shalt  }
0x77: {  	_ =	shalt  }
0x78: {  	_ =	shalt  }
0x79: {  	_ =	shalt  }
0x7a: {  	_ =	shalt  }
0x7b: {  	_ =	shalt  }
0x7c: {  	_ =	shalt  }
0x7d: {  	_ =	shalt  }
0x7e: {  	_ =	shalt  }
0x7f: {  	_ =	shalt  }
0x80: {  	_ =	shalt  }
0x81: {  	_ =	shalt  }
0x82: {  	_ =	shalt  }
0x83: {  	_ =	shalt  }
0x84: {  	_ =	shalt  }
0x85: {  	_ =	shalt  }
0x86: {  	_ =	shalt  }
0x87: {  	_ =	shalt  }
.Lfunc_end0:
.L_simem_size_0:
called_computation_lowered:
.L_overlay_start_0:
0x88: {  	s2 =	sld [smem:$0x3FD9]  }
0x89: {  	s3 =	sld [smem:$0x3FFE];
	_ =	sdelay $0x1  }
0x8a: {  	s1 =	srdreg.scid  }
0x8b: {  	s0 =	sand.u32 $0x1, s1  }
0x8c: {  	s17 =	sshll.u32 s0, $0xA;
	s2 =	sadd.s32 s3, s2  }
0x8d: {  	s2 =	sadd.s32 s2, s17  }
0x8e: {  	[smem:$0x3FBA] =	sst s2  }
0x8f: {  	_ = 	snop  }
0x90: {  	s2 =	sld [smem:$0x3FD0];
	(tm) =	ssettm $0x1  }
0x91: {  	s18 =	sld [smem:$0x3FFB];
	_ =	sdelay $0x3  }
0x92: {  	_ =	strace s18  }
0x93: {  	s3 =	sld [smem:$0x3FFC];
	_ =	sdelay $0x3  }
0x94: {  	_ =	strace s3  }
0x95: {  	s3 =	sld [smem:$0x3FFD];
	_ =	sdelay $0x3  }
0x96: {  	_ =	strace s3  }
0x97: {  	_ =	strace $0x8FFFFFFF  }
0x98: {  	s19 =	sld [smem:$0x3FDB];
	_ =	sdelay $0x1  }
0x99: {  	s4 =	simm.s32 $_scs_section_size  }
0x9a: {  	s5 =	simm.s32 $_size__tile_overlayer_lowered;
	s6 =	simm.s32 $_tile_overlayer_lowered  }
0x9b: {  	s22 =	simm.s32 $0x1BFF;
	s21 =	sshll.u32 s6, $0x1;
	s3 =	sadd.s32 s4, s19  }
0x9c: {  	s7 =	simm.s32 $0x0;
	s20 =	sshll.u32 s5, $0x1;
	s5 =	sadd.s32 s21, s3  }
0x9d: {  	[timem:s7], [sflag:s22] =	dma.local [hbm:s5], s20  }
0x9e: {  	_ =	swait.ge [sflag:s22], s20  }
0x9f: {  	s4 =	ssub.s32 $0x0, s20;
	[sflag:s22] =	ssyncset.done $0x0  }
0xa0: {  	[sflag:s22] =	ssyncadd.s32 s4;
	_ =	sdelay $0x1  }
0xa1: {  	s23 =	simm.s32 $0x1B8B  }
0xa2: {  	_ =	swait.ge [sflag:s23], $0x1  }
0xa3: {  	[sflag:s23] =	ssyncset.done $0x0  }
0xa4: {  	s25 =	simm.s32 $0x1B8E;
	s24 =	sld [smem:$0x3FFE];
	[sflag:s23] =	ssyncadd.s32 $0xFFFFFFFF  }
0xa5: {  	s26 =	simm.s32 $execute0_lowered;
	[smem:$0x3FD2] =	sst s25  }
0xa6: {  	s5 =	sshll.u32 s26, $0x1;
	_ =	strace $0x80000046;
	[dreg:$0x1] =	wrdreg $0xFFFFFFFF  }
0xa7: {  	s28 =	simm.s32 $_size_execute0_lowered;
	s3 =	sadd.s32 s3, s5;
	[dreg:$0x0] =	wrdreg $0x0  }
0xa8: {  	s5 =	sshll.u32 s28, $0x1;
	[dreg:$0x2] =	wrdreg s3  }
0xa9: {  	[dreg:$0x3] =	wrdreg s5  }
0xaa: {  	[dreg:$0x4] =	wrdreg $0xC0  }
0xab: {  	_ =	task [dreg:s7], $0x5FFFF  }
0xac: {  	[dreg:$0x1] =	wrdreg $0xFFFFFFFF  }
0xad: {  	[dreg:$0x0] =	wrdreg $0x60  }
0xae: {  	[dreg:$0x2] =	wrdreg s24  }
0xaf: {  	[dreg:$0x3] =	wrdreg s2  }
0xb0: {  	[dreg:$0x4] =	wrdreg $0x9  }
0xb1: {  	_ =	task.clear_ibuf [dreg:s7], $0x5FFFF;
	_ =	strace $0x90000046  }
0xb2: {  	s29 =	simm.s32 $0x9;
	_ =	strace $0x80000048  }
0xb3: {  	_ =	swait.ge [sflag:s29], $0x1  }
0xb4: {  	[sflag:s29] =	ssyncadd.s32 $0xFFFFFFFF  }
0xb5: {  	_ =	strace $0x90000048  }
0xb6: {  	_ =	sfence  }
0xb7: {  	s30 =	sld [smem:$0x0];
	_ =	sdelay $0x2  }
0xb8: {  	s31 =	sshll.u32 s1, $0xD;
	s1 =	sshrl.u32 s1, $0x2  }
0xb9: {  	s3 =	sand.u32 $0x4000, s31;
	s1 =	sadd.s32 s1, s30  }
0xba: {  	s0 =	sor.u32 s3, s0;
	s1 =	sshll.u32 s1, $0x11  }
0xbb: {  	s0 =	sor.u32 s1, s0  }
0xbc: {  	s0 =	sadd.s32 $0x8F2B, s0  }
0xbd: {  	[sflag:s0] =	ssyncadd.remote.s32 $0x1  }
0xbe: {  	_ =	sfence.sel $0xFFFF  }
0xbf: {  	[dreg:$0x0] =	wrdreg $0xFFFFFFFF;
	(pc) =	sbr.abs _section_cstart, $3  }
0xc0: {  	[dreg:$0x1] =	wrdreg $0xFFFFFFFF  }
0xc1: {  	_ =	task.clear_ibuf [dreg:s7], $0x2FFFF;
	_ =	strace $0x9FFFFFFF  }
0xc2: {  	(tm) =	ssettm $0x7FFFFFFF  }
0xc3: {  	_ =	shalt  }
tec
execute0_lowered:
.L_overlay_start_1:
0x0: {  	(tag) =	ssettag $0x1  }
0x1: {  	s4 =	rddreg [dreg:$0x0]  }
0x2: {  	s0 =	srdreg.scid;
	s11 =	rddreg [dreg:$0x1]  }
0x3: {  	s26 =	stileid.u32;
	s2 =	simm.s32 $0x0;
	s15 =	simm.s32 $0x100  }
0x4: {  	s16 =	simm.s32 $0x180;
	s17 =	simm.s32 $0x6;
	s18 =	simm.s32 $0x8200  }
0x5: {  	s19 =	simm.s32 $0x7;
	s20 =	simm.s32 $0x200;
	s21 =	simm.s32 $0xA  }
0x6: {  	s22 =	simm.s32 $0xB;
	s23 =	simm.s32 $0x9;
	s5 =	sand.u32 $0x1, s0  }
0x7: {  	s24 =	simm.s32 $0x0;
	s12 =	smul.u32 $0x4F, s26;
	s3 =	sshll.u32 s5, $0x4  }
0x8: {  	[smem:$0x7FF] =	sst s2;
	s10 =	smul.u32 $0x4F0, s5;
	s6 =	sor.u32 s26, s3  }
0x9: {  	_ =	strace $0x80000047;
	s28 =	ssub.s32 $0x2, s5;
	s7 =	smul.u32 $0x4F0, s6  }
0xa: {  	s3 =	sadd.s32 $0x1E00, s4;
	s4 =	sadd.s32 $0x29000, s4;
	s8 =	smul.u32 $0x2780, s6  }
0xb: {  	s29 =	sshrl.u32 s28, $0x1;
	s9 =	smul.u32 $0x13C000, s6;
	s14 =	sadd.s32 s12, s10  }
0xc: {  	s13 =	ssub.s32 s28, s29;
	s12 =	sshll.u32 s14, $0x4;
	s31 =	sshll.u32 s14, $0xB  }
0xd: {  	s14 =	simm.s32 $0x80;
	s8 =	sshrl.u32 s8, $0x3;
	s5 =	sadd.s32 s11, s7  }
0xe: {  	s9 =	sshrl.u32 s9, $0x3;
	s12 =	sadd.s32 s11, s12;
	s8 =	sadd.s32 s11, s8  }
0xf: {  	s30 =	sadd.s32 s4, s9;
	s11 =	smax.u32 s13, $0x1;
	s12 =	sadd.s32 $0x20, s12  }
0x10: {  	s13 =	sadd.s32 $0xFFFFF000, s31;
	s6 =	sadd.s32 $0x10, s8;
	s7 =	sadd.s32 $0x20, s8  }
0x11: {  	s8 =	sadd.s32 $0x30, s8;
	s9 =	sadd.s32 $0x26800, s30;
	s10 =	sadd.s32 $0x27000, s30  }
.LBB2_1:
0x12: {  	[tilespmem:s2], [sflag:$0x1] =	stream.linear.gather [hbm4b:s5+s2], $0x80, $0x38;
	[tilespmem:$0xC200] =	vst v63  }
0x13: {  	_ = 	snop  }
0x14: {  	[tilespmem:s14], [sflag:$0x2] =	stream.linear.gather [hbm4b:s6+s2], $0x80, $0x38;
	[tilespmem:$0xC200] =	vst v63  }
0x15: {  	_ = 	snop  }
0x16: {  	[tilespmem:s15], [sflag:$0x3] =	stream.linear.gather [hbm4b:s7+s2], $0x80, $0x38;
	[tilespmem:$0xC200] =	vst v63  }
0x17: {  	s25 =	simm.s32 $0x2;
	s26 =	smov.u32 s13;
	s28 =	smov.u32 s12  }
0x18: {  	[tilespmem:s16], [sflag:$0x4] =	stream.linear.gather [hbm4b:s8+s2], $0x80, $0x38;
	[tilespmem:$0xC200] =	vst v63  }
.LBB2_2:
0x19: {  	s29 =	sadd.s32 $0xFFFFFFFE, s25  }
0x1a: {  	p0 =	slt.u32 s29, $0x2  }
0x1b: {  	s30 =	sadd.s32 @!p0 $0xFFFFFFFC, s25  }
0x1c: {  	s31 =	sand.u32 @!p0 $0xFF, s30  }
0x1d: {  	s31 =	smul.u32 @!p0 $0xAB, s31;
	_ =	sdelay $0x1  }
0x1e: {  	s0 =	sand.u32 @!p0 $0x3, s30;
	s31 =	sshrl.u32 @!p0 s31, $0x9  }
0x1f: {  	s0 =	sadd.s32 @!p0 $0x5, s0;
	s31 =	smul.u32 @!p0 $0x3, s31  }
0x20: {  	_ =	swait.ge @!p0 [sflag:s0], $0x4000  }
0x21: {  	s1 =	simm.s32 @!p0 $0x0;
	[sflag:s0] =	ssyncset.done @!p0 $0x0;
	s30 =	ssub.s32 @!p0 s30, s31  }
0x22: {  	p1 =	sgt.u32 @!p0 s29, $0x4C;
	[sflag:s0] =	ssyncadd.s32 @!p0 $0xFFFFC000;
	s0 =	sand.u32 @!p0 $0xFF, s30  }
0x23: {  	s31 =	sand.u32 @!p0 $0x1FFFF800, s26;
	s30 =	sadd.s32 @!p0 $0x9, s0;
	s0 =	sshll.u32 @!p0 s0, $0xE  }
0x24: {  	p2 =	por p1, p0;
	s31 =	sadd.s32 @!p0 s4, s31;
	s0 =	sor.u32 @!p0 $0x200, s0  }
0x25: {  	[hbm4b:s31+s1] =	stream.linear.scatter @!p0 [tilespmem:s0], [sflag:s30], $0x4000, $0x38;
	[tilespmem:$0xC200] =	vst v63  }
0x26: {  	s0 =	sand.u32 @!p2 $0x3, s25  }
0x27: {  	s30 =	simm.s32 @!p2 $0x0;
	s1 =	sshll.u32 @!p2 s0, $0x7;
	s0 =	sadd.s32 @!p2 $0x1, s0  }
0x28: {  	[tilespmem:s1], [sflag:s0] =	stream.linear.gather @!p2 [hbm4b:s28+s30], $0x80, $0x38;
	[tilespmem:$0xC200] =	vst v63  }
0x29: {  	p2 =	seq.s32 @!p2 s25, $0x4  }
0x2a: {  	p1 =	por @!p0 p1, !p2  }
0x2b: {  	p0 =	por p0, !p1  }
0x2c: {  	s0 =	sadd.s32 @!p0 $0xFFFFFFFD, s29  }
0x2d: {  	s1 =	sand.u32 @!p0 $0xFF, s0  }
0x2e: {  	s1 =	smul.u32 @!p0 $0xAB, s1;
	_ =	sdelay $0x1  }
0x2f: {  	s1 =	sshrl.u32 @!p0 s1, $0x9  }
0x30: {  	s1 =	smul.u32 @!p0 $0x3, s1;
	_ =	sdelay $0x1  }
0x31: {  	s0 =	ssub.s32 @!p0 s0, s1  }
0x32: {  	s0 =	sand.u32 @!p0 $0xFF, s0  }
0x33: {  	s0 =	sadd.s32 @!p0 $0x9, s0  }
0x34: {  	s30 =	smul.u32 $0xAB, s29;
	_ =	swait.ge @!p0 [sflag:s0], $0x4000  }
0x35: {  	[sflag:s0] =	ssyncset.done @!p0 $0x0  }
0x36: {  	[sflag:s0] =	ssyncadd.s32 @!p0 $0xFFFFC000;
	s0 =	sshrl.u32 s30, $0x9  }
0x37: {  	s0 =	sand.u32 $0x7F, s0  }
0x38: {  	s25 =	sadd.s32 $0x1, s25;
	s0 =	smul.u32 $0x3, s0  }
0x39: {  	s26 =	sadd.s32 $0x800, s26;
	s1 =	sand.u32 $0x3, s29;
	p0 =	sne.s32 s25, $0x51  }
.Ltmp0:
0x3a: {  	s30 =	sadd.s32 $0x1, s1;
	s0 =	ssub.s32 s29, s0;
	(pc) =	sbr.rel @p0 .LBB2_2-.Ltmp0, $4  }
0x3b: {  	s28 =	sadd.s32 $0x10, s28;
	_ =	swait.ge [sflag:s30], $0x80;
	s0 =	sand.u32 $0xFF, s0  }
0x3c: {  	s31 =	sshll.u32 s1, $0x7;
	[sflag:s30] =	ssyncset.done $0x0;
	s0 =	sshll.u32 s0, $0xE  }
0x3d: {  	s1 =	sadd.s32 $0x5, s1;
	[sflag:s30] =	ssyncadd.s32 $0xFFFFFF80;
	s0 =	sor.u32 $0x200, s0  }
0x3e: {  	[tilespmem:s0], [sflag:s1] =	stream.indirect.gather [hbm4b:s3+s14], $0x80, s31, s14, $0xb8;
	[tilespmem:$0xC200] =	vst v63  }
0x3f: {  	_ =	swait.ge [sflag:s17], $0x4000  }
0x40: {  	[sflag:s17] =	ssyncset.done $0x0  }
0x41: {  	[sflag:s17] =	ssyncadd.s32 $0xFFFFC000  }
0x42: {  	[hbm4b:s9+s2] =	stream.linear.scatter [tilespmem:s18], [sflag:$0xB], $0x4000, $0x38;
	[tilespmem:$0xC200] =	vst v63  }
0x43: {  	_ =	swait.ge [sflag:s19], $0x4000  }
0x44: {  	[sflag:s19] =	ssyncset.done $0x0  }
0x45: {  	[sflag:s19] =	ssyncadd.s32 $0xFFFFC000  }
0x46: {  	[hbm4b:s10+s2] =	stream.linear.scatter [tilespmem:s20], [sflag:$0x9], $0x4000, $0x38;
	[tilespmem:$0xC200] =	vst v63  }
0x47: {  	_ =	swait.ge [sflag:s21], $0x4000  }
0x48: {  	[sflag:s21] =	ssyncset.done $0x0  }
0x49: {  	s24 =	sadd.s32 $0x1, s24;
	[sflag:s21] =	ssyncadd.s32 $0xFFFFC000  }
0x4a: {  	p0 =	sne.s32 s24, s11;
	_ =	swait.ge [sflag:s22], $0x4000  }
.Ltmp1:
0x4b: {  	[sflag:s22] =	ssyncset.done $0x0;
	(pc) =	sbr.rel @p0 .LBB2_1-.Ltmp1, $4  }
0x4c: {  	[sflag:s22] =	ssyncadd.s32 $0xFFFFC000  }
0x4d: {  	_ =	swait.ge [sflag:s23], $0x4000  }
0x4e: {  	[sflag:s23] =	ssyncset.done $0x0  }
0x4f: {  	[sflag:s23] =	ssyncadd.s32 $0xFFFFC000  }
0x50: {  	_ =	sfence.sel $0x180000  }
0x51: {  	[bflag:$0x0] =	sbarrier.arrive $0xFFFF  }
0x52: {  	_ =	strace $0x90000047  }
0x53: {  	s0 =	stileid.u32;
	[bflag:$0x2] =	sbarrier.arrive $0xFFFF  }
0x54: {  	p0 =	sne.s32 s0, $0x0;
	s0 =	rddreg [dreg:$0x2]  }
0x55: {  	s0 =	sadd.s32 @!p0 $0x100000, s0  }
0x56: {  	[sflag:s0] =	ssyncadd.tile.s32 @!p0 $0x1;
	_ =	shalt  }
.Lfunc_end2:
_tile_overlayer_lowered:
.L_overlay_start_2:
0x57: {  	(tag) =	ssettag $0x2  }
0x58: {  	s0 =	rddreg [dreg:$0x0];
	s2 =	stileid.u32  }
0x59: {  	s1 =	rddreg [dreg:$0x1];
	p0 =	sne.s32 s2, $0x0  }
0x5a: {  	s3 =	rddreg [dreg:$0x2];
	[bflag:$0x3] =	sbarrier.arrive $0xFFFF;
	s2 =	simm.s32 @!p0 $0x1C0C  }
0x5b: {  	[timem:s3], [sflag:s2] =	dma.local @!p0 [hbm:s0], s1  }
0x5c: {  	s0 =	simm.s32 @!p0 $0xC  }
0x5d: {  	_ =	swait.ge @!p0 [sflag:s0], s1  }
0x5e: {  	s1 =	ssub.s32 @!p0 $0x0, s1;
	[sflag:s0] =	ssyncset.done @!p0 $0x0  }
0x5f: {  	[sflag:s0] =	ssyncadd.s32 @!p0 s1  }
0x60: {  	[bflag:$0x3] =	sbarrier.arrive $0xFFFF  }
0x61: {  	_ =	shalt  }

</sc_bundles>
